<compile_context>
chip_gen: v7x
topology: tpu7x:2x2x1
jax: 0.10.2.dev20260603
libtpu: 0.0.44.dev20260713+nightly
codegen_flags: <defaults>
</compile_context>

<pallas_src>
import functools

import jax
import jax.numpy as jnp
from jax import lax
from jax.experimental import pallas as pl
from jax.experimental.pallas import tpu as pltpu
from jax.experimental.pallas import tpu_sc as plsc

N_NODES = 10000
N_EDGES = 320000
D_FEAT = 128
OUT_SIZE = 128

NC = 2
NS = 16
NW = NC * NS
EPW = N_EDGES // NW
RPT = N_NODES // NS


def _make_sc_agg(dt, k):
    nchunk = EPW // k
    mesh = plsc.VectorSubcoreMesh(core_axis_name="c", subcore_axis_name="s")

    @functools.partial(
        pl.kernel,
        mesh=mesh,
        out_type=jax.ShapeDtypeStruct((NC, N_NODES, dt), jnp.float32),
        scratch_types=[
            pltpu.VMEM((nchunk, 2, k), jnp.int32),
            pltpu.VMEM((2, k, dt), jnp.float32),
            pltpu.VMEM_SHARED((N_NODES, dt), jnp.float32),
            pltpu.SemaphoreType.DMA((2,)),
        ],
        compiler_params=pltpu.CompilerParams(use_tc_tiling_on_sc=False),
    )
    def sc_agg(tab_h, ei_h, z_h, out_p, idx_v, rows_v, acc_sh, sem):
        c = lax.axis_index("c")
        s = lax.axis_index("s")
        wid = c * NS + s
        rows = pl.ds(s * RPT, RPT)

        pltpu.sync_copy(z_h.at[rows], acc_sh.at[rows])
        pltpu.sync_copy(ei_h.at[wid], idx_v)

        def gather(j, b):
            pltpu.async_copy(tab_h.at[idx_v.at[j, 0]], rows_v.at[b], sem.at[b])

        gather(0, 0)
        plsc.subcore_barrier()

        def chunk(i, carry):
            b = lax.rem(i, 2)
            nxt = i + 1

            @pl.when(nxt < nchunk)
            def _():
                gather(nxt, 1 - b)

            pltpu.make_async_copy(
                tab_h.at[idx_v.at[i, 0]], rows_v.at[b], sem.at[b]
            ).wait()
            pltpu.sync_copy(rows_v.at[b], acc_sh.at[idx_v.at[i, 1]], add=True)
            return carry

        lax.fori_loop(0, nchunk, chunk, 0)

        plsc.subcore_barrier()
        pltpu.sync_copy(acc_sh.at[rows], out_p.at[c, rows])

    return sc_agg


K1 = 40
K2 = 80
_sc_agg_144 = _make_sc_agg(D_FEAT + 16, K1)
_sc_agg_128 = _make_sc_agg(D_FEAT, K2)

_TC_R = 2000


def _tc1_body(h_ref, p_ref, w_ref, o_ref):
    h = h_ref[...]
    p = p_ref[0] + p_ref[1]
    d = jnp.maximum(p[:, D_FEAT:D_FEAT + 1], 1e-12)
    agg = p[:, :D_FEAT] / d
    wh = w_ref[:, :D_FEAT]
    wa = w_ref[:, D_FEAT:]
    acc = lax.dot_general(h, wh, (((1,), (1,)), ((), ())),
                          preferred_element_type=jnp.float32)
    acc = acc + lax.dot_general(agg, wa, (((1,), (1,)), ((), ())),
                                preferred_element_type=jnp.float32)
    o_ref[...] = jnp.maximum(acc, 0.0)


def _tc2_body(h_ref, p_ref, dp_ref, w_ref, o_ref):
    h = h_ref[...]
    p = p_ref[0] + p_ref[1]
    d = jnp.maximum(dp_ref[0] + dp_ref[1], 1e-12)
    agg = p / d
    wh = w_ref[:, :D_FEAT]
    wa = w_ref[:, D_FEAT:]
    acc = lax.dot_general(h, wh, (((1,), (1,)), ((), ())),
                          preferred_element_type=jnp.float32)
    acc = acc + lax.dot_general(agg, wa, (((1,), (1,)), ((), ())),
                                preferred_element_type=jnp.float32)
    o_ref[...] = jnp.maximum(acc, 0.0)


def _tc_layer1(h, p, W):
    grid = (N_NODES // _TC_R,)
    return pl.pallas_call(
        _tc1_body,
        grid=grid,
        in_specs=[
            pl.BlockSpec((_TC_R, D_FEAT), lambda i: (i, 0)),
            pl.BlockSpec((NC, _TC_R, D_FEAT + 16), lambda i: (0, i, 0)),
            pl.BlockSpec((OUT_SIZE, 2 * D_FEAT), lambda i: (0, 0)),
        ],
        out_specs=pl.BlockSpec((_TC_R, OUT_SIZE), lambda i: (i, 0)),
        out_shape=jax.ShapeDtypeStruct((N_NODES, OUT_SIZE), jnp.float32),
    )(h, p, W)


def _tc_layer2(h, p, dp, W):
    grid = (N_NODES // _TC_R,)
    return pl.pallas_call(
        _tc2_body,
        grid=grid,
        in_specs=[
            pl.BlockSpec((_TC_R, D_FEAT), lambda i: (i, 0)),
            pl.BlockSpec((NC, _TC_R, D_FEAT), lambda i: (0, i, 0)),
            pl.BlockSpec((NC, _TC_R, 1), lambda i: (0, i, 0)),
            pl.BlockSpec((OUT_SIZE, 2 * OUT_SIZE), lambda i: (0, 0)),
        ],
        out_specs=pl.BlockSpec((_TC_R, OUT_SIZE), lambda i: (i, 0)),
        out_shape=jax.ShapeDtypeStruct((N_NODES, OUT_SIZE), jnp.float32),
    )(h, p, dp, W)


def kernel(x, W1, W2, edge_index):
    ei32 = edge_index.astype(jnp.int32)
    ei1 = jnp.transpose(ei32.reshape(2, NW, EPW // K1, K1), (1, 2, 0, 3))
    ei2 = jnp.transpose(ei32.reshape(2, NW, EPW // K2, K2), (1, 2, 0, 3))

    ones_cols = jnp.ones((N_NODES, 16), jnp.float32)
    x_aug = jnp.concatenate([x, ones_cols], axis=1)
    z144 = jnp.zeros((N_NODES, D_FEAT + 16), jnp.float32)
    p1 = _sc_agg_144(x_aug, ei1, z144)
    h1 = _tc_layer1(x, p1, W1)

    dp = p1[:, :, D_FEAT:D_FEAT + 1]
    z128 = jnp.zeros((N_NODES, D_FEAT), jnp.float32)
    p2 = _sc_agg_128(h1, ei2, z128)
    h2 = _tc_layer2(h1, p2, dp, W2)
    return h2

# --- scband reference (transcript-rebuilt; emitter-appended) ---
"""Pipeline reference for scband-graph-sage-31825707663803 (READ-ONLY COPY).

The authoritative reference and input builder live on the scoring server;
editing this copy changes nothing except your own understanding.
"""

import jax, jax.numpy as jnp
import numpy as np

N_NODES = 10000
N_EDGES = 320000
D_FEAT = 128
OUT_SIZE = 128


def setup_inputs(seed: int = 0) -> dict:
    key = jax.random.key(seed)
    k1, k2, k3, k4 = jax.random.split(key, 4)
    x = jax.random.normal(k1, (N_NODES, D_FEAT), dtype=jnp.float32)
    edge_index = jax.random.randint(k2, (2, N_EDGES), 0, N_NODES, dtype=jnp.int32)
    # SageLayer weights, xavier_uniform init. Layer 1: (out, 2*input_size); Layer 2: (out, 2*out)
    a1 = float(np.sqrt(6.0 / (OUT_SIZE + 2 * D_FEAT)))
    a2 = float(np.sqrt(6.0 / (OUT_SIZE + 2 * OUT_SIZE)))
    W1 = jax.random.uniform(k3, (OUT_SIZE, 2 * D_FEAT), minval=-a1, maxval=a1, dtype=jnp.float32)
    W2 = jax.random.uniform(k4, (OUT_SIZE, 2 * OUT_SIZE), minval=-a2, maxval=a2, dtype=jnp.float32)
    return {"x": x, "W1": W1, "W2": W2, "edge_index": edge_index}


def reference(x, W1, W2, edge_index):
    """Tensorized GraphSage (gat=False, agg_func='MEAN', num_layers=2).

    Per layer (matches SageLayer + mean aggregate):
      agg[i]   = L1-normalized (edge-count weighted) sum of neighbor embeddings -> weighted mean
      combined = concat([h[i], agg[i]])
      h_new    = relu(W @ combined.T).T
    Neighbor sampling / unique-node remapping from the original dict-based code is
    expressed as gather (jnp.take) over src and scatter-add (segment_sum) over dst.
    """
    src = edge_index[0]
    dst = edge_index[1]
    n = x.shape[0]
    h = x
    for W in (W1, W2):
        msgs = jnp.take(h, src, axis=0)                                  # gather neighbor embeddings
        agg_sum = jax.ops.segment_sum(msgs, dst, num_segments=n)          # scatter-add (mask.mm(embed_matrix) numerator)
        deg = jax.ops.segment_sum(jnp.ones((src.shape[0],), dtype=h.dtype), dst, num_segments=n)
        agg = agg_sum / jnp.maximum(deg, 1e-12)[:, None]                  # F.normalize(mask, p=1, dim=1)
        combined = jnp.concatenate([h, agg], axis=1)
        h = jax.nn.relu(combined @ W.T)                                   # F.relu(weight.mm(combined.t())).t()
    return h

if __name__ == "__main__":
    import jax
    _d = setup_inputs()
    print(jax.jit(kernel)(*tuple(_d.values())))

</pallas_src>

<mosaic_0001>
#map = affine_map<(d0, d1) -> (0, 0)>
#map1 = affine_map<(d0, d1) -> (0, 0, 0, 0)>
#map2 = affine_map<(d0, d1) -> (0, 0, 0)>
module attributes {stable_mosaic.version = 14 : i64} {
  func.func @sc_agg(%arg0: i32, %arg1: i32, %arg2: memref<10000x128xf32, #tpu.memory_space<hbm>>, %arg3: memref<32x125x2x80xi32, #tpu.memory_space<hbm>>, %arg4: memref<10000x128xf32, #tpu.memory_space<hbm>>, %arg5: memref<2x10000x128xf32, #tpu.memory_space<hbm>>, %arg6: memref<125x2x80xi32, #tpu.memory_space<vmem>>, %arg7: memref<2x80x128xf32, #tpu.memory_space<vmem>>, %arg8: memref<10000x128xf32, #tpu.memory_space<vmem_shared>>, %arg9: memref<2x!tpu.dma_semaphore, #tpu.memory_space<semaphore_mem>>) attributes {dimension_semantics = [#tpu.dimension_semantics<core_parallel>, #tpu.dimension_semantics<subcore_parallel>], iteration_bounds = array<i64: 2, 16>, scalar_prefetch = 0 : i64, scratch_operands = 4 : i64, tpu.core_type = #tpu.core_type<sc_vector_subcore>, window_params = [{transform_indices = #map}, {transform_indices = #map1}, {transform_indices = #map}, {transform_indices = #map2}]} {
    %mul3A = arith.constant 16 : i32
    %mul3A_0 = arith.muli %arg0, %mul3A : i32
    %add3A = arith.addi %mul3A_0, %arg1 : i32
    %mul3A_1 = arith.constant 625 : i32
    %mul3A_2 = arith.muli %arg1, %mul3A_1 : i32
    "tpu.region"() ({
      %run_scoped3A = tpu.sem_alloc : memref<!tpu.dma_semaphore, #tpu.memory_space<semaphore_mem>>
      %dma_start3A_24 = arith.constant 0 : i32
      %dma_start3A_25 = tpu.memref_slice %arg8[%mul3A_2, %dma_start3A_24] : memref<10000x128xf32, #tpu.memory_space<vmem_shared>> -> memref<625x128xf32, #tpu.memory_space<vmem_shared>>
      %dma_start3A_26 = arith.constant 0 : i32
      %dma_start3A_27 = tpu.memref_slice %arg4[%mul3A_2, %dma_start3A_26] : memref<10000x128xf32, #tpu.memory_space<hbm>> -> memref<625x128xf32, #tpu.memory_space<hbm>>
      tpu.enqueue_dma source(%dma_start3A_27 : memref<625x128xf32, #tpu.memory_space<hbm>>) target(%dma_start3A_25 : memref<625x128xf32, #tpu.memory_space<vmem_shared>>) target_semaphore(%run_scoped3A : memref<!tpu.dma_semaphore, #tpu.memory_space<semaphore_mem>>)
      %dma_wait3A = arith.constant 0 : i32
      %dma_wait3A_28 = tpu.memref_slice %arg8[%mul3A_2, %dma_wait3A] : memref<10000x128xf32, #tpu.memory_space<vmem_shared>> -> memref<625x128xf32, #tpu.memory_space<vmem_shared>>
      %dma_wait3A_29 = arith.constant 0 : i32
      %dma_wait3A_30 = tpu.memref_slice %arg4[%mul3A_2, %dma_wait3A_29] : memref<10000x128xf32, #tpu.memory_space<hbm>> -> memref<625x128xf32, #tpu.memory_space<hbm>>
      tpu.wait_dma2 semaphore(%run_scoped3A : memref<!tpu.dma_semaphore, #tpu.memory_space<semaphore_mem>>) src(%dma_wait3A_30 : memref<625x128xf32, #tpu.memory_space<hbm>>) dst(%dma_wait3A_28 : memref<625x128xf32, #tpu.memory_space<vmem_shared>>)
      tpu.yield
    }) : () -> ()
    "tpu.region"() ({
      %run_scoped3A = tpu.sem_alloc : memref<!tpu.dma_semaphore, #tpu.memory_space<semaphore_mem>>
      %dma_start3A_24 = arith.constant 0 : i32
      %dma_start3A_25 = arith.constant 0 : i32
      %dma_start3A_26 = arith.constant 0 : i32
      %dma_start3A_27 = tpu.memref_slice %arg3[%add3A, %dma_start3A_24, %dma_start3A_25, %dma_start3A_26] : memref<32x125x2x80xi32, #tpu.memory_space<hbm>> -> memref<1x125x2x80xi32, #tpu.memory_space<hbm>>
      %dma_start3A_28 = tpu.memref_squeeze %dma_start3A_27 : memref<1x125x2x80xi32, #tpu.memory_space<hbm>> -> memref<125x2x80xi32, #tpu.memory_space<hbm>>
      %dma_start3A_29 = arith.constant 0 : i32
      %dma_start3A_30 = arith.constant 0 : i32
      %dma_start3A_31 = arith.constant 0 : i32
      %dma_start3A_32 = tpu.memref_slice %arg3[%add3A, %dma_start3A_29, %dma_start3A_30, %dma_start3A_31] : memref<32x125x2x80xi32, #tpu.memory_space<hbm>> -> memref<1x125x2x80xi32, #tpu.memory_space<hbm>>
      %dma_start3A_33 = tpu.memref_squeeze %dma_start3A_32 : memref<1x125x2x80xi32, #tpu.memory_space<hbm>> -> memref<125x2x80xi32, #tpu.memory_space<hbm>>
      tpu.enqueue_dma source(%dma_start3A_33 : memref<125x2x80xi32, #tpu.memory_space<hbm>>) target(%arg6 : memref<125x2x80xi32, #tpu.memory_space<vmem>>) target_semaphore(%run_scoped3A : memref<!tpu.dma_semaphore, #tpu.memory_space<semaphore_mem>>)
      %dma_wait3A = arith.constant 0 : i32
      %dma_wait3A_34 = arith.constant 0 : i32
      %dma_wait3A_35 = arith.constant 0 : i32
      %dma_wait3A_36 = tpu.memref_slice %arg3[%add3A, %dma_wait3A, %dma_wait3A_34, %dma_wait3A_35] : memref<32x125x2x80xi32, #tpu.memory_space<hbm>> -> memref<1x125x2x80xi32, #tpu.memory_space<hbm>>
      %dma_wait3A_37 = tpu.memref_squeeze %dma_wait3A_36 : memref<1x125x2x80xi32, #tpu.memory_space<hbm>> -> memref<125x2x80xi32, #tpu.memory_space<hbm>>
      %dma_wait3A_38 = arith.constant 0 : i32
      %dma_wait3A_39 = arith.constant 0 : i32
      %dma_wait3A_40 = arith.constant 0 : i32
      %dma_wait3A_41 = tpu.memref_slice %arg3[%add3A, %dma_wait3A_38, %dma_wait3A_39, %dma_wait3A_40] : memref<32x125x2x80xi32, #tpu.memory_space<hbm>> -> memref<1x125x2x80xi32, #tpu.memory_space<hbm>>
      %dma_wait3A_42 = tpu.memref_squeeze %dma_wait3A_41 : memref<1x125x2x80xi32, #tpu.memory_space<hbm>> -> memref<125x2x80xi32, #tpu.memory_space<hbm>>
      tpu.wait_dma2 semaphore(%run_scoped3A : memref<!tpu.dma_semaphore, #tpu.memory_space<semaphore_mem>>) src(%dma_wait3A_42 : memref<125x2x80xi32, #tpu.memory_space<hbm>>) dst(%arg6 : memref<125x2x80xi32, #tpu.memory_space<vmem>>)
      tpu.yield
    }) : () -> ()
    %dma_start3A = arith.constant 0 : i32
    %dma_start3A_3 = arith.constant 0 : i32
    %dma_start3A_4 = arith.constant 0 : i32
    %dma_start3A_5 = arith.constant 0 : i32
    %dma_start3A_6 = arith.constant 0 : i32
    %dma_start3A_7 = arith.constant 0 : i32
    %dma_start3A_8 = tpu.memref_slice %arg7[%dma_start3A_4, %dma_start3A_6, %dma_start3A_7] : memref<2x80x128xf32, #tpu.memory_space<vmem>> -> memref<1x80x128xf32, #tpu.memory_space<vmem>>
    %dma_start3A_9 = tpu.memref_squeeze %dma_start3A_8 : memref<1x80x128xf32, #tpu.memory_space<vmem>> -> memref<80x128xf32, #tpu.memory_space<vmem>>
    %dma_start3A_10 = arith.constant 0 : i32
    %dma_start3A_11 = tpu.memref_slice %arg6[%dma_start3A, %dma_start3A_3, %dma_start3A_10] : memref<125x2x80xi32, #tpu.memory_space<vmem>> -> memref<1x1x80xi32, #tpu.memory_space<vmem>>
    %dma_start3A_12 = tpu.memref_squeeze %dma_start3A_11 : memref<1x1x80xi32, #tpu.memory_space<vmem>> -> memref<80xi32, #tpu.memory_space<vmem>>
    %dma_start3A_13 = arith.constant 0 : i32
    %dma_start3A_14 = arith.constant 0 : i32
    %dma_start3A_15 = tpu.memref_slice %arg2[%dma_start3A_13, %dma_start3A_14] : memref<10000x128xf32, #tpu.memory_space<hbm>> -> memref<10000x128xf32, #tpu.memory_space<hbm>>
    %dma_start3A_16 = tpu.memref_slice %arg9[%dma_start3A_5] : memref<2x!tpu.dma_semaphore, #tpu.memory_space<semaphore_mem>> -> memref<1x!tpu.dma_semaphore, #tpu.memory_space<semaphore_mem>>
    %dma_start3A_17 = tpu.memref_squeeze %dma_start3A_16 : memref<1x!tpu.dma_semaphore, #tpu.memory_space<semaphore_mem>> -> memref<!tpu.dma_semaphore, #tpu.memory_space<semaphore_mem>>
    tpu.enqueue_indirect_dma source(%dma_start3A_15 : memref<10000x128xf32, #tpu.memory_space<hbm>>) target(%dma_start3A_9 : memref<80x128xf32, #tpu.memory_space<vmem>>) offsets(%dma_start3A_12 : memref<80xi32, #tpu.memory_space<vmem>>) semaphore(%dma_start3A_17 : memref<!tpu.dma_semaphore, #tpu.memory_space<semaphore_mem>>)
    %barrier3A = arith.constant 0 : index
    tpu.barrier barrier_id(%barrier3A)
    %scan3A = arith.constant 0 : i32
    %scan3A_18 = arith.constant 0 : i32
    %scan3A_19 = arith.constant 125 : i32
    %scan3A_20 = arith.addi %scan3A_18, %scan3A_19 : i32
    %scan3A_21 = arith.constant 1 : i32
    scf.for %scan3A_24 = %scan3A_18 to %scan3A_20 step %scan3A_21  : i32 {
      %rem3A = arith.constant 2 : i32
      %rem3A_25 = arith.remsi %scan3A_24, %rem3A : i32
      %add3A_26 = arith.constant 1 : i32
      %add3A_27 = arith.addi %scan3A_24, %add3A_26 : i32
      %lt3A = arith.constant 125 : i32
      %lt3A_28 = arith.cmpi slt, %add3A_27, %lt3A : i32
      %convert_element_type3A = arith.extui %lt3A_28 : i1 to i32
      %cond3A = arith.constant 0 : i32
      %cond3A_29 = arith.cmpi ne, %convert_element_type3A, %cond3A : i32
      scf.if %cond3A_29 {
        %sub3A = arith.constant 1 : i32
        %sub3A_42 = arith.subi %sub3A, %rem3A_25 : i32
        %dma_start3A_43 = arith.constant 0 : i32
        %dma_start3A_44 = arith.constant 0 : i32
        %dma_start3A_45 = arith.constant 0 : i32
        %dma_start3A_46 = tpu.memref_slice %arg7[%sub3A_42, %dma_start3A_44, %dma_start3A_45] : memref<2x80x128xf32, #tpu.memory_space<vmem>> -> memref<1x80x128xf32, #tpu.memory_space<vmem>>
        %dma_start3A_47 = tpu.memref_squeeze %dma_start3A_46 : memref<1x80x128xf32, #tpu.memory_space<vmem>> -> memref<80x128xf32, #tpu.memory_space<vmem>>
        %dma_start3A_48 = arith.constant 0 : i32
        %dma_start3A_49 = tpu.memref_slice %arg6[%add3A_27, %dma_start3A_43, %dma_start3A_48] : memref<125x2x80xi32, #tpu.memory_space<vmem>> -> memref<1x1x80xi32, #tpu.memory_space<vmem>>
        %dma_start3A_50 = tpu.memref_squeeze %dma_start3A_49 : memref<1x1x80xi32, #tpu.memory_space<vmem>> -> memref<80xi32, #tpu.memory_space<vmem>>
        %dma_start3A_51 = arith.constant 0 : i32
        %dma_start3A_52 = arith.constant 0 : i32
        %dma_start3A_53 = tpu.memref_slice %arg2[%dma_start3A_51, %dma_start3A_52] : memref<10000x128xf32, #tpu.memory_space<hbm>> -> memref<10000x128xf32, #tpu.memory_space<hbm>>
        %dma_start3A_54 = tpu.memref_slice %arg9[%sub3A_42] : memref<2x!tpu.dma_semaphore, #tpu.memory_space<semaphore_mem>> -> memref<1x!tpu.dma_semaphore, #tpu.memory_space<semaphore_mem>>
        %dma_start3A_55 = tpu.memref_squeeze %dma_start3A_54 : memref<1x!tpu.dma_semaphore, #tpu.memory_space<semaphore_mem>> -> memref<!tpu.dma_semaphore, #tpu.memory_space<semaphore_mem>>
        tpu.enqueue_indirect_dma source(%dma_start3A_53 : memref<10000x128xf32, #tpu.memory_space<hbm>>) target(%dma_start3A_47 : memref<80x128xf32, #tpu.memory_space<vmem>>) offsets(%dma_start3A_50 : memref<80xi32, #tpu.memory_space<vmem>>) semaphore(%dma_start3A_55 : memref<!tpu.dma_semaphore, #tpu.memory_space<semaphore_mem>>)
      } else {
      }
      %dma_wait3A = arith.constant 0 : i32
      %dma_wait3A_30 = arith.constant 0 : i32
      %dma_wait3A_31 = arith.constant 0 : i32
      %dma_wait3A_32 = tpu.memref_slice %arg7[%rem3A_25, %dma_wait3A_30, %dma_wait3A_31] : memref<2x80x128xf32, #tpu.memory_space<vmem>> -> memref<1x80x128xf32, #tpu.memory_space<vmem>>
      %dma_wait3A_33 = tpu.memref_squeeze %dma_wait3A_32 : memref<1x80x128xf32, #tpu.memory_space<vmem>> -> memref<80x128xf32, #tpu.memory_space<vmem>>
      %dma_wait3A_34 = arith.constant 0 : i32
      %dma_wait3A_35 = tpu.memref_slice %arg6[%scan3A_24, %dma_wait3A, %dma_wait3A_34] : memref<125x2x80xi32, #tpu.memory_space<vmem>> -> memref<1x1x80xi32, #tpu.memory_space<vmem>>
      %dma_wait3A_36 = tpu.memref_squeeze %dma_wait3A_35 : memref<1x1x80xi32, #tpu.memory_space<vmem>> -> memref<80xi32, #tpu.memory_space<vmem>>
      %dma_wait3A_37 = arith.constant 0 : i32
      %dma_wait3A_38 = arith.constant 0 : i32
      %dma_wait3A_39 = tpu.memref_slice %arg2[%dma_wait3A_37, %dma_wait3A_38] : memref<10000x128xf32, #tpu.memory_space<hbm>> -> memref<10000x128xf32, #tpu.memory_space<hbm>>
      %dma_wait3A_40 = tpu.memref_slice %arg9[%rem3A_25] : memref<2x!tpu.dma_semaphore, #tpu.memory_space<semaphore_mem>> -> memref<1x!tpu.dma_semaphore, #tpu.memory_space<semaphore_mem>>
      %dma_wait3A_41 = tpu.memref_squeeze %dma_wait3A_40 : memref<1x!tpu.dma_semaphore, #tpu.memory_space<semaphore_mem>> -> memref<!tpu.dma_semaphore, #tpu.memory_space<semaphore_mem>>
      tpu.wait_indirect_dma semaphore(%dma_wait3A_41 : memref<!tpu.dma_semaphore, #tpu.memory_space<semaphore_mem>>) src(%dma_wait3A_39 : memref<10000x128xf32, #tpu.memory_space<hbm>>) dst(%dma_wait3A_33 : memref<80x128xf32, #tpu.memory_space<vmem>>)
      %run_scoped3A = arith.constant 1 : i32
      "tpu.region"() ({
        %run_scoped3A_42 = tpu.sem_alloc : memref<!tpu.dma_semaphore, #tpu.memory_space<semaphore_mem>>
        %dma_start3A_43 = arith.constant 0 : i32
        %dma_start3A_44 = arith.constant 0 : i32
        %dma_start3A_45 = tpu.memref_slice %arg7[%rem3A_25, %dma_start3A_43, %dma_start3A_44] : memref<2x80x128xf32, #tpu.memory_space<vmem>> -> memref<1x80x128xf32, #tpu.memory_space<vmem>>
        %dma_start3A_46 = tpu.memref_squeeze %dma_start3A_45 : memref<1x80x128xf32, #tpu.memory_space<vmem>> -> memref<80x128xf32, #tpu.memory_space<vmem>>
        %dma_start3A_47 = arith.constant 0 : i32
        %dma_start3A_48 = tpu.memref_slice %arg6[%scan3A_24, %run_scoped3A, %dma_start3A_47] : memref<125x2x80xi32, #tpu.memory_space<vmem>> -> memref<1x1x80xi32, #tpu.memory_space<vmem>>
        %dma_start3A_49 = tpu.memref_squeeze %dma_start3A_48 : memref<1x1x80xi32, #tpu.memory_space<vmem>> -> memref<80xi32, #tpu.memory_space<vmem>>
        %dma_start3A_50 = arith.constant 0 : i32
        %dma_start3A_51 = arith.constant 0 : i32
        %dma_start3A_52 = tpu.memref_slice %arg8[%dma_start3A_50, %dma_start3A_51] : memref<10000x128xf32, #tpu.memory_space<vmem_shared>> -> memref<10000x128xf32, #tpu.memory_space<vmem_shared>>
        tpu.enqueue_indirect_dma source(%dma_start3A_46 : memref<80x128xf32, #tpu.memory_space<vmem>>) target(%dma_start3A_52 : memref<10000x128xf32, #tpu.memory_space<vmem_shared>>) offsets(%dma_start3A_49 : memref<80xi32, #tpu.memory_space<vmem>>) semaphore(%run_scoped3A_42 : memref<!tpu.dma_semaphore, #tpu.memory_space<semaphore_mem>>) {add = true}
        %dma_wait3A_53 = arith.constant 0 : i32
        %dma_wait3A_54 = arith.constant 0 : i32
        %dma_wait3A_55 = tpu.memref_slice %arg7[%rem3A_25, %dma_wait3A_53, %dma_wait3A_54] : memref<2x80x128xf32, #tpu.memory_space<vmem>> -> memref<1x80x128xf32, #tpu.memory_space<vmem>>
        %dma_wait3A_56 = tpu.memref_squeeze %dma_wait3A_55 : memref<1x80x128xf32, #tpu.memory_space<vmem>> -> memref<80x128xf32, #tpu.memory_space<vmem>>
        %dma_wait3A_57 = arith.constant 0 : i32
        %dma_wait3A_58 = tpu.memref_slice %arg6[%scan3A_24, %run_scoped3A, %dma_wait3A_57] : memref<125x2x80xi32, #tpu.memory_space<vmem>> -> memref<1x1x80xi32, #tpu.memory_space<vmem>>
        %dma_wait3A_59 = tpu.memref_squeeze %dma_wait3A_58 : memref<1x1x80xi32, #tpu.memory_space<vmem>> -> memref<80xi32, #tpu.memory_space<vmem>>
        %dma_wait3A_60 = arith.constant 0 : i32
        %dma_wait3A_61 = arith.constant 0 : i32
        %dma_wait3A_62 = tpu.memref_slice %arg8[%dma_wait3A_60, %dma_wait3A_61] : memref<10000x128xf32, #tpu.memory_space<vmem_shared>> -> memref<10000x128xf32, #tpu.memory_space<vmem_shared>>
        tpu.wait_indirect_dma semaphore(%run_scoped3A_42 : memref<!tpu.dma_semaphore, #tpu.memory_space<semaphore_mem>>) src(%dma_wait3A_56 : memref<80x128xf32, #tpu.memory_space<vmem>>) dst(%dma_wait3A_62 : memref<10000x128xf32, #tpu.memory_space<vmem_shared>>)
        tpu.yield
      }) : () -> ()
    }
    %scan3A_22 = arith.constant 125 : i32
    %barrier3A_23 = arith.constant 0 : index
    tpu.barrier barrier_id(%barrier3A_23)
    "tpu.region"() ({
      %run_scoped3A = tpu.sem_alloc : memref<!tpu.dma_semaphore, #tpu.memory_space<semaphore_mem>>
      %dma_start3A_24 = arith.constant 0 : i32
      %dma_start3A_25 = tpu.memref_slice %arg5[%arg0, %mul3A_2, %dma_start3A_24] : memref<2x10000x128xf32, #tpu.memory_space<hbm>> -> memref<1x625x128xf32, #tpu.memory_space<hbm>>
      %dma_start3A_26 = tpu.memref_squeeze %dma_start3A_25 : memref<1x625x128xf32, #tpu.memory_space<hbm>> -> memref<625x128xf32, #tpu.memory_space<hbm>>
      %dma_start3A_27 = arith.constant 0 : i32
      %dma_start3A_28 = tpu.memref_slice %arg8[%mul3A_2, %dma_start3A_27] : memref<10000x128xf32, #tpu.memory_space<vmem_shared>> -> memref<625x128xf32, #tpu.memory_space<vmem_shared>>
      tpu.enqueue_dma source(%dma_start3A_28 : memref<625x128xf32, #tpu.memory_space<vmem_shared>>) target(%dma_start3A_26 : memref<625x128xf32, #tpu.memory_space<hbm>>) target_semaphore(%run_scoped3A : memref<!tpu.dma_semaphore, #tpu.memory_space<semaphore_mem>>)
      %dma_wait3A = arith.constant 0 : i32
      %dma_wait3A_29 = tpu.memref_slice %arg5[%arg0, %mul3A_2, %dma_wait3A] : memref<2x10000x128xf32, #tpu.memory_space<hbm>> -> memref<1x625x128xf32, #tpu.memory_space<hbm>>
      %dma_wait3A_30 = tpu.memref_squeeze %dma_wait3A_29 : memref<1x625x128xf32, #tpu.memory_space<hbm>> -> memref<625x128xf32, #tpu.memory_space<hbm>>
      %dma_wait3A_31 = arith.constant 0 : i32
      %dma_wait3A_32 = tpu.memref_slice %arg8[%mul3A_2, %dma_wait3A_31] : memref<10000x128xf32, #tpu.memory_space<vmem_shared>> -> memref<625x128xf32, #tpu.memory_space<vmem_shared>>
      tpu.wait_dma2 semaphore(%run_scoped3A : memref<!tpu.dma_semaphore, #tpu.memory_space<semaphore_mem>>) src(%dma_wait3A_32 : memref<625x128xf32, #tpu.memory_space<vmem_shared>>) dst(%dma_wait3A_30 : memref<625x128xf32, #tpu.memory_space<hbm>>)
      tpu.yield
    }) : () -> ()
    return
  }
}

#map = affine_map<(d0, d1) -> (0, 0)>
#map1 = affine_map<(d0, d1) -> (0, 0, 0, 0)>
#map2 = affine_map<(d0, d1) -> (0, 0, 0)>
module attributes {stable_mosaic.version = 14 : i64} {
  func.func @sc_agg(%arg0: i32, %arg1: i32, %arg2: memref<10000x144xf32, #tpu.memory_space<hbm>>, %arg3: memref<32x250x2x40xi32, #tpu.memory_space<hbm>>, %arg4: memref<10000x144xf32, #tpu.memory_space<hbm>>, %arg5: memref<2x10000x144xf32, #tpu.memory_space<hbm>>, %arg6: memref<250x2x40xi32, #tpu.memory_space<vmem>>, %arg7: memref<2x40x144xf32, #tpu.memory_space<vmem>>, %arg8: memref<10000x144xf32, #tpu.memory_space<vmem_shared>>, %arg9: memref<2x!tpu.dma_semaphore, #tpu.memory_space<semaphore_mem>>) attributes {dimension_semantics = [#tpu.dimension_semantics<core_parallel>, #tpu.dimension_semantics<subcore_parallel>], iteration_bounds = array<i64: 2, 16>, scalar_prefetch = 0 : i64, scratch_operands = 4 : i64, tpu.core_type = #tpu.core_type<sc_vector_subcore>, window_params = [{transform_indices = #map}, {transform_indices = #map1}, {transform_indices = #map}, {transform_indices = #map2}]} {
    %mul3A = arith.constant 16 : i32
    %mul3A_0 = arith.muli %arg0, %mul3A : i32
    %add3A = arith.addi %mul3A_0, %arg1 : i32
    %mul3A_1 = arith.constant 625 : i32
    %mul3A_2 = arith.muli %arg1, %mul3A_1 : i32
    "tpu.region"() ({
      %run_scoped3A = tpu.sem_alloc : memref<!tpu.dma_semaphore, #tpu.memory_space<semaphore_mem>>
      %dma_start3A_24 = arith.constant 0 : i32
      %dma_start3A_25 = tpu.memref_slice %arg8[%mul3A_2, %dma_start3A_24] : memref<10000x144xf32, #tpu.memory_space<vmem_shared>> -> memref<625x144xf32, #tpu.memory_space<vmem_shared>>
      %dma_start3A_26 = arith.constant 0 : i32
      %dma_start3A_27 = tpu.memref_slice %arg4[%mul3A_2, %dma_start3A_26] : memref<10000x144xf32, #tpu.memory_space<hbm>> -> memref<625x144xf32, #tpu.memory_space<hbm>>
      tpu.enqueue_dma source(%dma_start3A_27 : memref<625x144xf32, #tpu.memory_space<hbm>>) target(%dma_start3A_25 : memref<625x144xf32, #tpu.memory_space<vmem_shared>>) target_semaphore(%run_scoped3A : memref<!tpu.dma_semaphore, #tpu.memory_space<semaphore_mem>>)
      %dma_wait3A = arith.constant 0 : i32
      %dma_wait3A_28 = tpu.memref_slice %arg8[%mul3A_2, %dma_wait3A] : memref<10000x144xf32, #tpu.memory_space<vmem_shared>> -> memref<625x144xf32, #tpu.memory_space<vmem_shared>>
      %dma_wait3A_29 = arith.constant 0 : i32
      %dma_wait3A_30 = tpu.memref_slice %arg4[%mul3A_2, %dma_wait3A_29] : memref<10000x144xf32, #tpu.memory_space<hbm>> -> memref<625x144xf32, #tpu.memory_space<hbm>>
      tpu.wait_dma2 semaphore(%run_scoped3A : memref<!tpu.dma_semaphore, #tpu.memory_space<semaphore_mem>>) src(%dma_wait3A_30 : memref<625x144xf32, #tpu.memory_space<hbm>>) dst(%dma_wait3A_28 : memref<625x144xf32, #tpu.memory_space<vmem_shared>>)
      tpu.yield
    }) : () -> ()
    "tpu.region"() ({
      %run_scoped3A = tpu.sem_alloc : memref<!tpu.dma_semaphore, #tpu.memory_space<semaphore_mem>>
      %dma_start3A_24 = arith.constant 0 : i32
      %dma_start3A_25 = arith.constant 0 : i32
      %dma_start3A_26 = arith.constant 0 : i32
      %dma_start3A_27 = tpu.memref_slice %arg3[%add3A, %dma_start3A_24, %dma_start3A_25, %dma_start3A_26] : memref<32x250x2x40xi32, #tpu.memory_space<hbm>> -> memref<1x250x2x40xi32, #tpu.memory_space<hbm>>
      %dma_start3A_28 = tpu.memref_squeeze %dma_start3A_27 : memref<1x250x2x40xi32, #tpu.memory_space<hbm>> -> memref<250x2x40xi32, #tpu.memory_space<hbm>>
      %dma_start3A_29 = arith.constant 0 : i32
      %dma_start3A_30 = arith.constant 0 : i32
      %dma_start3A_31 = arith.constant 0 : i32
      %dma_start3A_32 = tpu.memref_slice %arg3[%add3A, %dma_start3A_29, %dma_start3A_30, %dma_start3A_31] : memref<32x250x2x40xi32, #tpu.memory_space<hbm>> -> memref<1x250x2x40xi32, #tpu.memory_space<hbm>>
      %dma_start3A_33 = tpu.memref_squeeze %dma_start3A_32 : memref<1x250x2x40xi32, #tpu.memory_space<hbm>> -> memref<250x2x40xi32, #tpu.memory_space<hbm>>
      tpu.enqueue_dma source(%dma_start3A_33 : memref<250x2x40xi32, #tpu.memory_space<hbm>>) target(%arg6 : memref<250x2x40xi32, #tpu.memory_space<vmem>>) target_semaphore(%run_scoped3A : memref<!tpu.dma_semaphore, #tpu.memory_space<semaphore_mem>>)
      %dma_wait3A = arith.constant 0 : i32
      %dma_wait3A_34 = arith.constant 0 : i32
      %dma_wait3A_35 = arith.constant 0 : i32
      %dma_wait3A_36 = tpu.memref_slice %arg3[%add3A, %dma_wait3A, %dma_wait3A_34, %dma_wait3A_35] : memref<32x250x2x40xi32, #tpu.memory_space<hbm>> -> memref<1x250x2x40xi32, #tpu.memory_space<hbm>>
      %dma_wait3A_37 = tpu.memref_squeeze %dma_wait3A_36 : memref<1x250x2x40xi32, #tpu.memory_space<hbm>> -> memref<250x2x40xi32, #tpu.memory_space<hbm>>
      %dma_wait3A_38 = arith.constant 0 : i32
      %dma_wait3A_39 = arith.constant 0 : i32
      %dma_wait3A_40 = arith.constant 0 : i32
      %dma_wait3A_41 = tpu.memref_slice %arg3[%add3A, %dma_wait3A_38, %dma_wait3A_39, %dma_wait3A_40] : memref<32x250x2x40xi32, #tpu.memory_space<hbm>> -> memref<1x250x2x40xi32, #tpu.memory_space<hbm>>
      %dma_wait3A_42 = tpu.memref_squeeze %dma_wait3A_41 : memref<1x250x2x40xi32, #tpu.memory_space<hbm>> -> memref<250x2x40xi32, #tpu.memory_space<hbm>>
      tpu.wait_dma2 semaphore(%run_scoped3A : memref<!tpu.dma_semaphore, #tpu.memory_space<semaphore_mem>>) src(%dma_wait3A_42 : memref<250x2x40xi32, #tpu.memory_space<hbm>>) dst(%arg6 : memref<250x2x40xi32, #tpu.memory_space<vmem>>)
      tpu.yield
    }) : () -> ()
    %dma_start3A = arith.constant 0 : i32
    %dma_start3A_3 = arith.constant 0 : i32
    %dma_start3A_4 = arith.constant 0 : i32
    %dma_start3A_5 = arith.constant 0 : i32
    %dma_start3A_6 = arith.constant 0 : i32
    %dma_start3A_7 = arith.constant 0 : i32
    %dma_start3A_8 = tpu.memref_slice %arg7[%dma_start3A_4, %dma_start3A_6, %dma_start3A_7] : memref<2x40x144xf32, #tpu.memory_space<vmem>> -> memref<1x40x144xf32, #tpu.memory_space<vmem>>
    %dma_start3A_9 = tpu.memref_squeeze %dma_start3A_8 : memref<1x40x144xf32, #tpu.memory_space<vmem>> -> memref<40x144xf32, #tpu.memory_space<vmem>>
    %dma_start3A_10 = arith.constant 0 : i32
    %dma_start3A_11 = tpu.memref_slice %arg6[%dma_start3A, %dma_start3A_3, %dma_start3A_10] : memref<250x2x40xi32, #tpu.memory_space<vmem>> -> memref<1x1x40xi32, #tpu.memory_space<vmem>>
    %dma_start3A_12 = tpu.memref_squeeze %dma_start3A_11 : memref<1x1x40xi32, #tpu.memory_space<vmem>> -> memref<40xi32, #tpu.memory_space<vmem>>
    %dma_start3A_13 = arith.constant 0 : i32
    %dma_start3A_14 = arith.constant 0 : i32
    %dma_start3A_15 = tpu.memref_slice %arg2[%dma_start3A_13, %dma_start3A_14] : memref<10000x144xf32, #tpu.memory_space<hbm>> -> memref<10000x144xf32, #tpu.memory_space<hbm>>
    %dma_start3A_16 = tpu.memref_slice %arg9[%dma_start3A_5] : memref<2x!tpu.dma_semaphore, #tpu.memory_space<semaphore_mem>> -> memref<1x!tpu.dma_semaphore, #tpu.memory_space<semaphore_mem>>
    %dma_start3A_17 = tpu.memref_squeeze %dma_start3A_16 : memref<1x!tpu.dma_semaphore, #tpu.memory_space<semaphore_mem>> -> memref<!tpu.dma_semaphore, #tpu.memory_space<semaphore_mem>>
    tpu.enqueue_indirect_dma source(%dma_start3A_15 : memref<10000x144xf32, #tpu.memory_space<hbm>>) target(%dma_start3A_9 : memref<40x144xf32, #tpu.memory_space<vmem>>) offsets(%dma_start3A_12 : memref<40xi32, #tpu.memory_space<vmem>>) semaphore(%dma_start3A_17 : memref<!tpu.dma_semaphore, #tpu.memory_space<semaphore_mem>>)
    %barrier3A = arith.constant 0 : index
    tpu.barrier barrier_id(%barrier3A)
    %scan3A = arith.constant 0 : i32
    %scan3A_18 = arith.constant 0 : i32
    %scan3A_19 = arith.constant 250 : i32
    %scan3A_20 = arith.addi %scan3A_18, %scan3A_19 : i32
    %scan3A_21 = arith.constant 1 : i32
    scf.for %scan3A_24 = %scan3A_18 to %scan3A_20 step %scan3A_21  : i32 {
      %rem3A = arith.constant 2 : i32
      %rem3A_25 = arith.remsi %scan3A_24, %rem3A : i32
      %add3A_26 = arith.constant 1 : i32
      %add3A_27 = arith.addi %scan3A_24, %add3A_26 : i32
      %lt3A = arith.constant 250 : i32
      %lt3A_28 = arith.cmpi slt, %add3A_27, %lt3A : i32
      %convert_element_type3A = arith.extui %lt3A_28 : i1 to i32
      %cond3A = arith.constant 0 : i32
      %cond3A_29 = arith.cmpi ne, %convert_element_type3A, %cond3A : i32
      scf.if %cond3A_29 {
        %sub3A = arith.constant 1 : i32
        %sub3A_42 = arith.subi %sub3A, %rem3A_25 : i32
        %dma_start3A_43 = arith.constant 0 : i32
        %dma_start3A_44 = arith.constant 0 : i32
        %dma_start3A_45 = arith.constant 0 : i32
        %dma_start3A_46 = tpu.memref_slice %arg7[%sub3A_42, %dma_start3A_44, %dma_start3A_45] : memref<2x40x144xf32, #tpu.memory_space<vmem>> -> memref<1x40x144xf32, #tpu.memory_space<vmem>>
        %dma_start3A_47 = tpu.memref_squeeze %dma_start3A_46 : memref<1x40x144xf32, #tpu.memory_space<vmem>> -> memref<40x144xf32, #tpu.memory_space<vmem>>
        %dma_start3A_48 = arith.constant 0 : i32
        %dma_start3A_49 = tpu.memref_slice %arg6[%add3A_27, %dma_start3A_43, %dma_start3A_48] : memref<250x2x40xi32, #tpu.memory_space<vmem>> -> memref<1x1x40xi32, #tpu.memory_space<vmem>>
        %dma_start3A_50 = tpu.memref_squeeze %dma_start3A_49 : memref<1x1x40xi32, #tpu.memory_space<vmem>> -> memref<40xi32, #tpu.memory_space<vmem>>
        %dma_start3A_51 = arith.constant 0 : i32
        %dma_start3A_52 = arith.constant 0 : i32
        %dma_start3A_53 = tpu.memref_slice %arg2[%dma_start3A_51, %dma_start3A_52] : memref<10000x144xf32, #tpu.memory_space<hbm>> -> memref<10000x144xf32, #tpu.memory_space<hbm>>
        %dma_start3A_54 = tpu.memref_slice %arg9[%sub3A_42] : memref<2x!tpu.dma_semaphore, #tpu.memory_space<semaphore_mem>> -> memref<1x!tpu.dma_semaphore, #tpu.memory_space<semaphore_mem>>
        %dma_start3A_55 = tpu.memref_squeeze %dma_start3A_54 : memref<1x!tpu.dma_semaphore, #tpu.memory_space<semaphore_mem>> -> memref<!tpu.dma_semaphore, #tpu.memory_space<semaphore_mem>>
        tpu.enqueue_indirect_dma source(%dma_start3A_53 : memref<10000x144xf32, #tpu.memory_space<hbm>>) target(%dma_start3A_47 : memref<40x144xf32, #tpu.memory_space<vmem>>) offsets(%dma_start3A_50 : memref<40xi32, #tpu.memory_space<vmem>>) semaphore(%dma_start3A_55 : memref<!tpu.dma_semaphore, #tpu.memory_space<semaphore_mem>>)
      } else {
      }
      %dma_wait3A = arith.constant 0 : i32
      %dma_wait3A_30 = arith.constant 0 : i32
      %dma_wait3A_31 = arith.constant 0 : i32
      %dma_wait3A_32 = tpu.memref_slice %arg7[%rem3A_25, %dma_wait3A_30, %dma_wait3A_31] : memref<2x40x144xf32, #tpu.memory_space<vmem>> -> memref<1x40x144xf32, #tpu.memory_space<vmem>>
      %dma_wait3A_33 = tpu.memref_squeeze %dma_wait3A_32 : memref<1x40x144xf32, #tpu.memory_space<vmem>> -> memref<40x144xf32, #tpu.memory_space<vmem>>
      %dma_wait3A_34 = arith.constant 0 : i32
      %dma_wait3A_35 = tpu.memref_slice %arg6[%scan3A_24, %dma_wait3A, %dma_wait3A_34] : memref<250x2x40xi32, #tpu.memory_space<vmem>> -> memref<1x1x40xi32, #tpu.memory_space<vmem>>
      %dma_wait3A_36 = tpu.memref_squeeze %dma_wait3A_35 : memref<1x1x40xi32, #tpu.memory_space<vmem>> -> memref<40xi32, #tpu.memory_space<vmem>>
      %dma_wait3A_37 = arith.constant 0 : i32
      %dma_wait3A_38 = arith.constant 0 : i32
      %dma_wait3A_39 = tpu.memref_slice %arg2[%dma_wait3A_37, %dma_wait3A_38] : memref<10000x144xf32, #tpu.memory_space<hbm>> -> memref<10000x144xf32, #tpu.memory_space<hbm>>
      %dma_wait3A_40 = tpu.memref_slice %arg9[%rem3A_25] : memref<2x!tpu.dma_semaphore, #tpu.memory_space<semaphore_mem>> -> memref<1x!tpu.dma_semaphore, #tpu.memory_space<semaphore_mem>>
      %dma_wait3A_41 = tpu.memref_squeeze %dma_wait3A_40 : memref<1x!tpu.dma_semaphore, #tpu.memory_space<semaphore_mem>> -> memref<!tpu.dma_semaphore, #tpu.memory_space<semaphore_mem>>
      tpu.wait_indirect_dma semaphore(%dma_wait3A_41 : memref<!tpu.dma_semaphore, #tpu.memory_space<semaphore_mem>>) src(%dma_wait3A_39 : memref<10000x144xf32, #tpu.memory_space<hbm>>) dst(%dma_wait3A_33 : memref<40x144xf32, #tpu.memory_space<vmem>>)
      %run_scoped3A = arith.constant 1 : i32
      "tpu.region"() ({
        %run_scoped3A_42 = tpu.sem_alloc : memref<!tpu.dma_semaphore, #tpu.memory_space<semaphore_mem>>
        %dma_start3A_43 = arith.constant 0 : i32
        %dma_start3A_44 = arith.constant 0 : i32
        %dma_start3A_45 = tpu.memref_slice %arg7[%rem3A_25, %dma_start3A_43, %dma_start3A_44] : memref<2x40x144xf32, #tpu.memory_space<vmem>> -> memref<1x40x144xf32, #tpu.memory_space<vmem>>
        %dma_start3A_46 = tpu.memref_squeeze %dma_start3A_45 : memref<1x40x144xf32, #tpu.memory_space<vmem>> -> memref<40x144xf32, #tpu.memory_space<vmem>>
        %dma_start3A_47 = arith.constant 0 : i32
        %dma_start3A_48 = tpu.memref_slice %arg6[%scan3A_24, %run_scoped3A, %dma_start3A_47] : memref<250x2x40xi32, #tpu.memory_space<vmem>> -> memref<1x1x40xi32, #tpu.memory_space<vmem>>
        %dma_start3A_49 = tpu.memref_squeeze %dma_start3A_48 : memref<1x1x40xi32, #tpu.memory_space<vmem>> -> memref<40xi32, #tpu.memory_space<vmem>>
        %dma_start3A_50 = arith.constant 0 : i32
        %dma_start3A_51 = arith.constant 0 : i32
        %dma_start3A_52 = tpu.memref_slice %arg8[%dma_start3A_50, %dma_start3A_51] : memref<10000x144xf32, #tpu.memory_space<vmem_shared>> -> memref<10000x144xf32, #tpu.memory_space<vmem_shared>>
        tpu.enqueue_indirect_dma source(%dma_start3A_46 : memref<40x144xf32, #tpu.memory_space<vmem>>) target(%dma_start3A_52 : memref<10000x144xf32, #tpu.memory_space<vmem_shared>>) offsets(%dma_start3A_49 : memref<40xi32, #tpu.memory_space<vmem>>) semaphore(%run_scoped3A_42 : memref<!tpu.dma_semaphore, #tpu.memory_space<semaphore_mem>>) {add = true}
        %dma_wait3A_53 = arith.constant 0 : i32
        %dma_wait3A_54 = arith.constant 0 : i32
        %dma_wait3A_55 = tpu.memref_slice %arg7[%rem3A_25, %dma_wait3A_53, %dma_wait3A_54] : memref<2x40x144xf32, #tpu.memory_space<vmem>> -> memref<1x40x144xf32, #tpu.memory_space<vmem>>
        %dma_wait3A_56 = tpu.memref_squeeze %dma_wait3A_55 : memref<1x40x144xf32, #tpu.memory_space<vmem>> -> memref<40x144xf32, #tpu.memory_space<vmem>>
        %dma_wait3A_57 = arith.constant 0 : i32
        %dma_wait3A_58 = tpu.memref_slice %arg6[%scan3A_24, %run_scoped3A, %dma_wait3A_57] : memref<250x2x40xi32, #tpu.memory_space<vmem>> -> memref<1x1x40xi32, #tpu.memory_space<vmem>>
        %dma_wait3A_59 = tpu.memref_squeeze %dma_wait3A_58 : memref<1x1x40xi32, #tpu.memory_space<vmem>> -> memref<40xi32, #tpu.memory_space<vmem>>
        %dma_wait3A_60 = arith.constant 0 : i32
        %dma_wait3A_61 = arith.constant 0 : i32
        %dma_wait3A_62 = tpu.memref_slice %arg8[%dma_wait3A_60, %dma_wait3A_61] : memref<10000x144xf32, #tpu.memory_space<vmem_shared>> -> memref<10000x144xf32, #tpu.memory_space<vmem_shared>>
        tpu.wait_indirect_dma semaphore(%run_scoped3A_42 : memref<!tpu.dma_semaphore, #tpu.memory_space<semaphore_mem>>) src(%dma_wait3A_56 : memref<40x144xf32, #tpu.memory_space<vmem>>) dst(%dma_wait3A_62 : memref<10000x144xf32, #tpu.memory_space<vmem_shared>>)
        tpu.yield
      }) : () -> ()
    }
    %scan3A_22 = arith.constant 250 : i32
    %barrier3A_23 = arith.constant 0 : index
    tpu.barrier barrier_id(%barrier3A_23)
    "tpu.region"() ({
      %run_scoped3A = tpu.sem_alloc : memref<!tpu.dma_semaphore, #tpu.memory_space<semaphore_mem>>
      %dma_start3A_24 = arith.constant 0 : i32
      %dma_start3A_25 = tpu.memref_slice %arg5[%arg0, %mul3A_2, %dma_start3A_24] : memref<2x10000x144xf32, #tpu.memory_space<hbm>> -> memref<1x625x144xf32, #tpu.memory_space<hbm>>
      %dma_start3A_26 = tpu.memref_squeeze %dma_start3A_25 : memref<1x625x144xf32, #tpu.memory_space<hbm>> -> memref<625x144xf32, #tpu.memory_space<hbm>>
      %dma_start3A_27 = arith.constant 0 : i32
      %dma_start3A_28 = tpu.memref_slice %arg8[%mul3A_2, %dma_start3A_27] : memref<10000x144xf32, #tpu.memory_space<vmem_shared>> -> memref<625x144xf32, #tpu.memory_space<vmem_shared>>
      tpu.enqueue_dma source(%dma_start3A_28 : memref<625x144xf32, #tpu.memory_space<vmem_shared>>) target(%dma_start3A_26 : memref<625x144xf32, #tpu.memory_space<hbm>>) target_semaphore(%run_scoped3A : memref<!tpu.dma_semaphore, #tpu.memory_space<semaphore_mem>>)
      %dma_wait3A = arith.constant 0 : i32
      %dma_wait3A_29 = tpu.memref_slice %arg5[%arg0, %mul3A_2, %dma_wait3A] : memref<2x10000x144xf32, #tpu.memory_space<hbm>> -> memref<1x625x144xf32, #tpu.memory_space<hbm>>
      %dma_wait3A_30 = tpu.memref_squeeze %dma_wait3A_29 : memref<1x625x144xf32, #tpu.memory_space<hbm>> -> memref<625x144xf32, #tpu.memory_space<hbm>>
      %dma_wait3A_31 = arith.constant 0 : i32
      %dma_wait3A_32 = tpu.memref_slice %arg8[%mul3A_2, %dma_wait3A_31] : memref<10000x144xf32, #tpu.memory_space<vmem_shared>> -> memref<625x144xf32, #tpu.memory_space<vmem_shared>>
      tpu.wait_dma2 semaphore(%run_scoped3A : memref<!tpu.dma_semaphore, #tpu.memory_space<semaphore_mem>>) src(%dma_wait3A_32 : memref<625x144xf32, #tpu.memory_space<vmem_shared>>) dst(%dma_wait3A_30 : memref<625x144xf32, #tpu.memory_space<hbm>>)
      tpu.yield
    }) : () -> ()
    return
  }
}

module attributes {stable_mosaic.version = 14 : i64} {
  func.func @_tc1_body(%arg0: i32, %arg1: memref<2000x128xf32, #tpu.memory_space<vmem>>, %arg2: memref<2x2000x144xf32, #tpu.memory_space<vmem>>, %arg3: memref<128x256xf32, #tpu.memory_space<vmem>>, %arg4: memref<2000x128xf32, #tpu.memory_space<vmem>>) attributes {dimension_semantics = [#tpu.dimension_semantics<arbitrary>], iteration_bounds = array<i64: 5>, scalar_prefetch = 0 : i64, scratch_operands = 0 : i64, tpu.core_type = #tpu.core_type<tc>, window_params = [{transform_indices = @transform_0, window_bounds = array<i64: 2000, 128>}, {transform_indices = @transform_1, window_bounds = array<i64: 2, 2000, 144>}, {pipeline_mode = #tpu.pipeline_mode<synchronous>, transform_indices = @transform_2, window_bounds = array<i64: 128, 256>}, {transform_indices = @transform_3, window_bounds = array<i64: 2000, 128>}]} {
    %get3A = arith.constant 0 : index
    %get3A_0 = arith.constant 0 : index
    %get3A_1 = vector.load %arg1[%get3A, %get3A_0] : memref<2000x128xf32, #tpu.memory_space<vmem>>, vector<2000x128xf32>
    %get3A_2 = arith.constant 0 : index
    %get3A_3 = arith.constant 0 : index
    %get3A_4 = arith.constant 0 : index
    %get3A_5 = vector.load %arg2[%get3A_2, %get3A_3, %get3A_4] : memref<2x2000x144xf32, #tpu.memory_space<vmem>>, vector<1x2000x144xf32>
    %get3A_6 = vector.shape_cast %get3A_5 : vector<1x2000x144xf32> to vector<2000x144xf32>
    %get3A_7 = arith.constant 1 : index
    %get3A_8 = arith.constant 0 : index
    %get3A_9 = arith.constant 0 : index
    %get3A_10 = vector.load %arg2[%get3A_7, %get3A_8, %get3A_9] : memref<2x2000x144xf32, #tpu.memory_space<vmem>>, vector<1x2000x144xf32>
    %get3A_11 = vector.shape_cast %get3A_10 : vector<1x2000x144xf32> to vector<2000x144xf32>
    %add3A = arith.addf %get3A_6, %get3A_11 : vector<2000x144xf32>
    %slice3A = vector.extract_strided_slice %add3A {offsets = [0, 128], sizes = [2000, 1], strides = [1, 1]} : vector<2000x144xf32> to vector<2000x1xf32>
    %max3A = arith.constant 9.99999996E-13 : f32
    %max3A_12 = vector.broadcast %max3A : f32 to vector<2000x1xf32>
    %max3A_13 = arith.maximumf %slice3A, %max3A_12 : vector<2000x1xf32>
    %slice3A_14 = vector.extract_strided_slice %add3A {offsets = [0, 0], sizes = [2000, 128], strides = [1, 1]} : vector<2000x144xf32> to vector<2000x128xf32>
    %div3A = vector.broadcast %max3A_13 : vector<2000x1xf32> to vector<2000x128xf32>
    %div3A_15 = arith.divf %slice3A_14, %div3A : vector<2000x128xf32>
    %get3A_16 = arith.constant 0 : index
    %get3A_17 = arith.constant 0 : index
    %get3A_18 = vector.load %arg3[%get3A_16, %get3A_17] : memref<128x256xf32, #tpu.memory_space<vmem>>, vector<128x128xf32>
    %get3A_19 = arith.constant 0 : index
    %get3A_20 = arith.constant 128 : index
    %get3A_21 = vector.load %arg3[%get3A_19, %get3A_20] : memref<128x256xf32, #tpu.memory_space<vmem>>, vector<128x128xf32>
    %dot_general3A = arith.constant dense<0.000000e+00> : vector<2000x128xf32>
    %dot_general3A_22 = tpu.matmul %get3A_1, %get3A_18, %dot_general3A {dimension_numbers = #tpu.dot_dimension_numbers<[1], [1], [0], [0], [0, 0, 1, 0], [], []>, transpose_lhs_hint = false} : vector<2000x128xf32>, vector<128x128xf32>, vector<2000x128xf32> -> vector<2000x128xf32>
    %dot_general3A_23 = arith.constant dense<0.000000e+00> : vector<2000x128xf32>
    %dot_general3A_24 = tpu.matmul %div3A_15, %get3A_21, %dot_general3A_23 {dimension_numbers = #tpu.dot_dimension_numbers<[1], [1], [0], [0], [0, 0, 1, 0], [], []>, transpose_lhs_hint = false} : vector<2000x128xf32>, vector<128x128xf32>, vector<2000x128xf32> -> vector<2000x128xf32>
    %add3A_25 = arith.addf %dot_general3A_22, %dot_general3A_24 : vector<2000x128xf32>
    %max3A_26 = arith.constant 0.000000e+00 : f32
    %max3A_27 = vector.broadcast %max3A_26 : f32 to vector<2000x128xf32>
    %max3A_28 = arith.maximumf %add3A_25, %max3A_27 : vector<2000x128xf32>
    %swap3A = arith.constant 0 : index
    %swap3A_29 = arith.constant 0 : index
    %swap3A_30 = vector.load %arg4[%swap3A, %swap3A_29] : memref<2000x128xf32, #tpu.memory_space<vmem>>, vector<2000x128xf32>
    tpu.vector_store %arg4[%swap3A, %swap3A_29], %max3A_28 {strides = array<i32>} : memref<2000x128xf32, #tpu.memory_space<vmem>>, vector<2000x128xf32>,
    return
  }
  func.func @transform_0(%arg0: i32) -> (i32, i32) {
    %c0_i32 = arith.constant 0 : i32
    %c0_i32_0 = arith.constant 0 : i32
    return %arg0, %c0_i32 : i32, i32
  }
  func.func @transform_1(%arg0: i32) -> (i32, i32, i32) {
    %c0_i32 = arith.constant 0 : i32
    %c0_i32_0 = arith.constant 0 : i32
    %c0_i32_1 = arith.constant 0 : i32
    return %c0_i32, %arg0, %c0_i32_0 : i32, i32, i32
  }
  func.func @transform_2(%arg0: i32) -> (i32, i32) {
    %c0_i32 = arith.constant 0 : i32
    %c0_i32_0 = arith.constant 0 : i32
    %c0_i32_1 = arith.constant 0 : i32
    return %c0_i32, %c0_i32_0 : i32, i32
  }
  func.func @transform_3(%arg0: i32) -> (i32, i32) {
    %c0_i32 = arith.constant 0 : i32
    %c0_i32_0 = arith.constant 0 : i32
    return %arg0, %c0_i32 : i32, i32
  }
}

module attributes {stable_mosaic.version = 14 : i64} {
  func.func @_tc2_body(%arg0: i32, %arg1: memref<2000x128xf32, #tpu.memory_space<vmem>>, %arg2: memref<2x2000x128xf32, #tpu.memory_space<vmem>>, %arg3: memref<2x2000x1xf32, #tpu.memory_space<vmem>>, %arg4: memref<128x256xf32, #tpu.memory_space<vmem>>, %arg5: memref<2000x128xf32, #tpu.memory_space<vmem>>) attributes {dimension_semantics = [#tpu.dimension_semantics<arbitrary>], iteration_bounds = array<i64: 5>, scalar_prefetch = 0 : i64, scratch_operands = 0 : i64, tpu.core_type = #tpu.core_type<tc>, window_params = [{transform_indices = @transform_0, window_bounds = array<i64: 2000, 128>}, {transform_indices = @transform_1, window_bounds = array<i64: 2, 2000, 128>}, {transform_indices = @transform_2, window_bounds = array<i64: 2, 2000, 1>}, {pipeline_mode = #tpu.pipeline_mode<synchronous>, transform_indices = @transform_3, window_bounds = array<i64: 128, 256>}, {transform_indices = @transform_4, window_bounds = array<i64: 2000, 128>}]} {
    %get3A = arith.constant 0 : index
    %get3A_0 = arith.constant 0 : index
    %get3A_1 = vector.load %arg1[%get3A, %get3A_0] : memref<2000x128xf32, #tpu.memory_space<vmem>>, vector<2000x128xf32>
    %get3A_2 = arith.constant 0 : index
    %get3A_3 = arith.constant 0 : index
    %get3A_4 = arith.constant 0 : index
    %get3A_5 = vector.load %arg2[%get3A_2, %get3A_3, %get3A_4] : memref<2x2000x128xf32, #tpu.memory_space<vmem>>, vector<1x2000x128xf32>
    %get3A_6 = vector.shape_cast %get3A_5 : vector<1x2000x128xf32> to vector<2000x128xf32>
    %get3A_7 = arith.constant 1 : index
    %get3A_8 = arith.constant 0 : index
    %get3A_9 = arith.constant 0 : index
    %get3A_10 = vector.load %arg2[%get3A_7, %get3A_8, %get3A_9] : memref<2x2000x128xf32, #tpu.memory_space<vmem>>, vector<1x2000x128xf32>
    %get3A_11 = vector.shape_cast %get3A_10 : vector<1x2000x128xf32> to vector<2000x128xf32>
    %add3A = arith.addf %get3A_6, %get3A_11 : vector<2000x128xf32>
    %get3A_12 = arith.constant 0 : index
    %get3A_13 = arith.constant 0 : index
    %get3A_14 = arith.constant 0 : index
    %get3A_15 = vector.load %arg3[%get3A_12, %get3A_13, %get3A_14] : memref<2x2000x1xf32, #tpu.memory_space<vmem>>, vector<1x2000x1xf32>
    %get3A_16 = vector.shape_cast %get3A_15 : vector<1x2000x1xf32> to vector<2000x1xf32>
    %get3A_17 = arith.constant 1 : index
    %get3A_18 = arith.constant 0 : index
    %get3A_19 = arith.constant 0 : index
    %get3A_20 = vector.load %arg3[%get3A_17, %get3A_18, %get3A_19] : memref<2x2000x1xf32, #tpu.memory_space<vmem>>, vector<1x2000x1xf32>
    %get3A_21 = vector.shape_cast %get3A_20 : vector<1x2000x1xf32> to vector<2000x1xf32>
    %add3A_22 = arith.addf %get3A_16, %get3A_21 : vector<2000x1xf32>
    %max3A = arith.constant 9.99999996E-13 : f32
    %max3A_23 = vector.broadcast %max3A : f32 to vector<2000x1xf32>
    %max3A_24 = arith.maximumf %add3A_22, %max3A_23 : vector<2000x1xf32>
    %div3A = vector.broadcast %max3A_24 : vector<2000x1xf32> to vector<2000x128xf32>
    %div3A_25 = arith.divf %add3A, %div3A : vector<2000x128xf32>
    %get3A_26 = arith.constant 0 : index
    %get3A_27 = arith.constant 0 : index
    %get3A_28 = vector.load %arg4[%get3A_26, %get3A_27] : memref<128x256xf32, #tpu.memory_space<vmem>>, vector<128x128xf32>
    %get3A_29 = arith.constant 0 : index
    %get3A_30 = arith.constant 128 : index
    %get3A_31 = vector.load %arg4[%get3A_29, %get3A_30] : memref<128x256xf32, #tpu.memory_space<vmem>>, vector<128x128xf32>
    %dot_general3A = arith.constant dense<0.000000e+00> : vector<2000x128xf32>
    %dot_general3A_32 = tpu.matmul %get3A_1, %get3A_28, %dot_general3A {dimension_numbers = #tpu.dot_dimension_numbers<[1], [1], [0], [0], [0, 0, 1, 0], [], []>, transpose_lhs_hint = false} : vector<2000x128xf32>, vector<128x128xf32>, vector<2000x128xf32> -> vector<2000x128xf32>
    %dot_general3A_33 = arith.constant dense<0.000000e+00> : vector<2000x128xf32>
    %dot_general3A_34 = tpu.matmul %div3A_25, %get3A_31, %dot_general3A_33 {dimension_numbers = #tpu.dot_dimension_numbers<[1], [1], [0], [0], [0, 0, 1, 0], [], []>, transpose_lhs_hint = false} : vector<2000x128xf32>, vector<128x128xf32>, vector<2000x128xf32> -> vector<2000x128xf32>
    %add3A_35 = arith.addf %dot_general3A_32, %dot_general3A_34 : vector<2000x128xf32>
    %max3A_36 = arith.constant 0.000000e+00 : f32
    %max3A_37 = vector.broadcast %max3A_36 : f32 to vector<2000x128xf32>
    %max3A_38 = arith.maximumf %add3A_35, %max3A_37 : vector<2000x128xf32>
    %swap3A = arith.constant 0 : index
    %swap3A_39 = arith.constant 0 : index
    %swap3A_40 = vector.load %arg5[%swap3A, %swap3A_39] : memref<2000x128xf32, #tpu.memory_space<vmem>>, vector<2000x128xf32>
    tpu.vector_store %arg5[%swap3A, %swap3A_39], %max3A_38 {strides = array<i32>} : memref<2000x128xf32, #tpu.memory_space<vmem>>, vector<2000x128xf32>,
    return
  }
  func.func @transform_0(%arg0: i32) -> (i32, i32) {
    %c0_i32 = arith.constant 0 : i32
    %c0_i32_0 = arith.constant 0 : i32
    return %arg0, %c0_i32 : i32, i32
  }
  func.func @transform_1(%arg0: i32) -> (i32, i32, i32) {
    %c0_i32 = arith.constant 0 : i32
    %c0_i32_0 = arith.constant 0 : i32
    %c0_i32_1 = arith.constant 0 : i32
    return %c0_i32, %arg0, %c0_i32_0 : i32, i32, i32
  }
  func.func @transform_2(%arg0: i32) -> (i32, i32, i32) {
    %c0_i32 = arith.constant 0 : i32
    %c0_i32_0 = arith.constant 0 : i32
    %c0_i32_1 = arith.constant 0 : i32
    return %c0_i32, %arg0, %c0_i32_0 : i32, i32, i32
  }
  func.func @transform_3(%arg0: i32) -> (i32, i32) {
    %c0_i32 = arith.constant 0 : i32
    %c0_i32_0 = arith.constant 0 : i32
    %c0_i32_1 = arith.constant 0 : i32
    return %c0_i32, %c0_i32_0 : i32, i32
  }
  func.func @transform_4(%arg0: i32) -> (i32, i32) {
    %c0_i32 = arith.constant 0 : i32
    %c0_i32_0 = arith.constant 0 : i32
    return %arg0, %c0_i32 : i32, i32
  }
}

</mosaic_0001>

<sc_bundles>
// kernel: kernel.6.cloned.1.call-start
scs
__scs_entry_jumppad:
0x0: {  	(pc) =	sbr.rel $0x88, $3  }
0x1: {  	(tag) =	ssettag $0x0;
	lr =	simm.s32 $0x1  }
0x2: {  	[smem:$0x3F9D] =	sst lr;
	_ =	strace $0xD0000000  }
0x3: {  	_ = 	snop  }
0x4: {  	_ = 	snop  }
0x5: {  	_ = 	snop  }
0x6: {  	_ = 	snop  }
0x7: {  	_ = 	snop  }
__scs_overlays_trampoline_lowered:
0x8: {  	[smem:$0x3FAC] =	sst s0  }
0x9: {  	[smem:$0x3FAD] =	sst s1  }
0xa: {  	[smem:$0x3FAE] =	sst s2  }
0xb: {  	[smem:$0x3FAF] =	sst s3  }
0xc: {  	[smem:$0x3FB0] =	sst s4  }
0xd: {  	[smem:$0x3FB1] =	sst s5  }
0xe: {  	[smem:$0x3FB2] =	sst s6  }
0xf: {  	[smem:$0x3FB3] =	sst s7  }
0x10: {  	[smem:$0x3FB4] =	sst s8  }
0x11: {  	[smem:$0x3FB5] =	sst s9;
	s0 =	simm.s32 @!p0 $0x0  }
0x12: {  	s1 =	sld [smem:$0x3F9B];
	s0 =	simm.s32 @p0 $0x1  }
0x13: {  	[smem:$0x3FB6] =	sst s0;
	s0 =	simm.s32 @!p1 $0x0  }
0x14: {  	s2 =	sld [smem:$0x3F9A];
	s0 =	simm.s32 @p1 $0x1  }
0x15: {  	[smem:$0x3FB7] =	sst s0;
	s0 =	simm.s32 @!p2 $0x0  }
0x16: {  	s3 =	sld [smem:$0x3FDB];
	s0 =	simm.s32 @p2 $0x1  }
0x17: {  	s4 =	simm.s32 $0x1BF5;
	[smem:$0x3FB9] =	sst s0  }
0x18: {  	s0 =	sld [smem:$0x3F9C];
	_ =	swait.ge [sflag:s4], $0x0  }
0x19: {  	s7 =	sld [smem:$0x3F9D]  }
0x1a: {  	s8 =	sadd.s32 $0xFFFFE003, lr  }
0x1b: {  	s9 =	sadd.s32 $0xFFFFFEF7, lr;
	s5 =	simm.s32 $0xFFFFFFFF;
	p2 =	slt.u32 s8, $0xFFFFF086  }
0x1c: {  	p1 =	slt.u32 s9, $0xF7A;
	s5 =	simm.s32 @!p2 $0x0  }
0x1d: {  	s5 =	simm.s32 @p1 $0x1;
	p0 =	seq.s32 s7, s2  }
0x1e: {  	s7 =	smul.u32 @!p0 $0xF7A, s2;
	p2 =	seq.s32 @!p0 s5, $0x0  }
0x1f: {  	s9 =	smul.u32 $0xF7A, s1;
	s8 =	simm.s32 @!p0 $0x1BF5;
	p2 =	por !p2, p0  }
0x20: {  	[sflag:s8] =	ssyncset.s32 @!p0 $0xFFFFF086;
	s6 =	sadd.s32 @!p0 s3, s7;
	s7 =	simm.s32 @!p0 $0x108  }
0x21: {  	s3 =	sadd.s32 s3, s9;
	s6 =	sadd.s32 @!p0 $0x88, s6;
	s7 =	simm.s32 @p2 $0x1082  }
0x22: {  	[simem:s7], [sflag:s8] =	dma.local @!p0 [hbm:s6], $0xF7A  }
0x23: {  	s9 =	sor.u32 $0xD0000000, s2;
	s6 =	simm.s32 $0x108;
	_ =	swait.ge @!p0 [sflag:s8], $0x0  }
0x24: {  	s3 =	sadd.s32 $0x88, s3;
	s6 =	simm.s32 @!p1 $0x1082;
	[sflag:s4] =	ssyncset.s32 $0xFFFFF086  }
0x25: {  	[simem:s6], [sflag:s4] =	dma.local [hbm:s3], $0xF7A  }
0x26: {  	[smem:$0x3F9D] =	sst s1;
	(tag) =	ssettag s2;
	_ =	strace s9  }
0x27: {  	s1 =	sld [smem:$0x3FAD]  }
0x28: {  	s2 =	sld [smem:$0x3FAE]  }
0x29: {  	s4 =	sld [smem:$0x3FB0]  }
0x2a: {  	p0 =	seq.s32 s5, $0x0;
	s5 =	sld [smem:$0x3FB1]  }
0x2b: {  	s6 =	sld [smem:$0x3FB2]  }
0x2c: {  	s7 =	sld [smem:$0x3FB3]  }
0x2d: {  	s3 =	simm.s32 $0x108;
	s8 =	sld [smem:$0x3FB4]  }
0x2e: {  	s3 =	simm.s32 @!p0 $0x1082;
	s9 =	sld [smem:$0x3FB5]  }
0x2f: {  	lr =	sadd.s32 s0, s3;
	s0 =	sld [smem:$0x3FAC]  }
0x30: {  	s3 =	sld [smem:$0x3FAF]  }
0x31: {  	[smem:$0x3FB8] =	sst s10  }
0x32: {  	s10 =	sld [smem:$0x3FB6];
	_ =	sdelay $0x3  }
0x33: {  	p0 =	seq.s32 s10, $0x1;
	s10 =	sld [smem:$0x3FB8];
	_ =	sdelay $0x3  }
0x34: {  	[smem:$0x3FB8] =	sst s10  }
0x35: {  	s10 =	sld [smem:$0x3FB7];
	_ =	sdelay $0x3  }
0x36: {  	p1 =	seq.s32 s10, $0x1;
	s10 =	sld [smem:$0x3FB8];
	_ =	sdelay $0x3  }
0x37: {  	[smem:$0x3FB8] =	sst s10  }
0x38: {  	s10 =	sld [smem:$0x3FB9]  }
0x39: {  	_ = 	snop;
	(pc) =	sbr.ind lr, $3  }
0x3a: {  	_ = 	snop  }
0x3b: {  	_ = 	snop  }
0x3c: {  	p2 =	seq.s32 s10, $0x1;
	s10 =	sld [smem:$0x3FB8]  }
0x3d: {  	_ =	shalt  }
0x3e: {  	_ =	shalt  }
0x3f: {  	_ =	shalt  }
0x40: {  	_ =	shalt  }
0x41: {  	_ =	shalt  }
0x42: {  	_ =	shalt  }
0x43: {  	_ =	shalt  }
0x44: {  	_ =	shalt  }
0x45: {  	_ =	shalt  }
0x46: {  	_ =	shalt  }
0x47: {  	_ =	shalt  }
0x48: {  	_ =	shalt  }
0x49: {  	_ =	shalt  }
0x4a: {  	_ =	shalt  }
0x4b: {  	_ =	shalt  }
0x4c: {  	_ =	shalt  }
0x4d: {  	_ =	shalt  }
0x4e: {  	_ =	shalt  }
0x4f: {  	_ =	shalt  }
0x50: {  	_ =	shalt  }
0x51: {  	_ =	shalt  }
0x52: {  	_ =	shalt  }
0x53: {  	_ =	shalt  }
0x54: {  	_ =	shalt  }
0x55: {  	_ =	shalt  }
0x56: {  	_ =	shalt  }
0x57: {  	_ =	shalt  }
0x58: {  	_ =	shalt  }
0x59: {  	_ =	shalt  }
0x5a: {  	_ =	shalt  }
0x5b: {  	_ =	shalt  }
0x5c: {  	_ =	shalt  }
0x5d: {  	_ =	shalt  }
0x5e: {  	_ =	shalt  }
0x5f: {  	_ =	shalt  }
0x60: {  	_ =	shalt  }
0x61: {  	_ =	shalt  }
0x62: {  	_ =	shalt  }
0x63: {  	_ =	shalt  }
0x64: {  	_ =	shalt  }
0x65: {  	_ =	shalt  }
0x66: {  	_ =	shalt  }
0x67: {  	_ =	shalt  }
0x68: {  	_ =	shalt  }
0x69: {  	_ =	shalt  }
0x6a: {  	_ =	shalt  }
0x6b: {  	_ =	shalt  }
0x6c: {  	_ =	shalt  }
0x6d: {  	_ =	shalt  }
0x6e: {  	_ =	shalt  }
0x6f: {  	_ =	shalt  }
0x70: {  	_ =	shalt  }
0x71: {  	_ =	shalt  }
0x72: {  	_ =	shalt  }
0x73: {  	_ =	shalt  }
0x74: {  	_ =	shalt  }
0x75: {  	_ =	shalt  }
0x76: {  	_ =	shalt  }
0x77: {  	_ =	shalt  }
0x78: {  	_ =	shalt  }
0x79: {  	_ =	shalt  }
0x7a: {  	_ =	shalt  }
0x7b: {  	_ =	shalt  }
0x7c: {  	_ =	shalt  }
0x7d: {  	_ =	shalt  }
0x7e: {  	_ =	shalt  }
0x7f: {  	_ =	shalt  }
0x80: {  	_ =	shalt  }
0x81: {  	_ =	shalt  }
0x82: {  	_ =	shalt  }
0x83: {  	_ =	shalt  }
0x84: {  	_ =	shalt  }
0x85: {  	_ =	shalt  }
0x86: {  	_ =	shalt  }
0x87: {  	_ =	shalt  }
.Lfunc_end0:
.L_simem_size_0:
called_computation_lowered:
.L_overlay_start_0:
0x88: {  	s2 =	sld [smem:$0x3FD9]  }
0x89: {  	s3 =	sld [smem:$0x3FFE];
	_ =	sdelay $0x1  }
0x8a: {  	s1 =	srdreg.scid  }
0x8b: {  	s0 =	sand.u32 $0x1, s1  }
0x8c: {  	s17 =	sshll.u32 s0, $0xA;
	s2 =	sadd.s32 s3, s2  }
0x8d: {  	s2 =	sadd.s32 s2, s17  }
0x8e: {  	[smem:$0x3FC4] =	sst s2  }
0x8f: {  	_ = 	snop  }
0x90: {  	s2 =	sld [smem:$0x3FD0];
	(tm) =	ssettm $0x1  }
0x91: {  	s18 =	sld [smem:$0x3FFB];
	_ =	sdelay $0x3  }
0x92: {  	_ =	strace s18  }
0x93: {  	s3 =	sld [smem:$0x3FFC];
	_ =	sdelay $0x3  }
0x94: {  	_ =	strace s3  }
0x95: {  	s3 =	sld [smem:$0x3FFD];
	_ =	sdelay $0x3  }
0x96: {  	_ =	strace s3  }
0x97: {  	_ =	strace $0x8FFFFFFF  }
0x98: {  	s19 =	sld [smem:$0x3FDB];
	_ =	sdelay $0x1  }
0x99: {  	s4 =	simm.s32 $_scs_section_size  }
0x9a: {  	s5 =	simm.s32 $_size__tile_overlayer_lowered;
	s6 =	simm.s32 $_tile_overlayer_lowered  }
0x9b: {  	s22 =	simm.s32 $0x1BFF;
	s21 =	sshll.u32 s6, $0x1;
	s3 =	sadd.s32 s4, s19  }
0x9c: {  	s7 =	simm.s32 $0x0;
	s20 =	sshll.u32 s5, $0x1;
	s5 =	sadd.s32 s21, s3  }
0x9d: {  	[timem:s7], [sflag:s22] =	dma.local [hbm:s5], s20  }
0x9e: {  	_ =	swait.ge [sflag:s22], s20  }
0x9f: {  	s4 =	ssub.s32 $0x0, s20;
	[sflag:s22] =	ssyncset.done $0x0  }
0xa0: {  	[sflag:s22] =	ssyncadd.s32 s4;
	_ =	sdelay $0x1  }
0xa1: {  	s23 =	simm.s32 $0x1B8B  }
0xa2: {  	_ =	swait.ge [sflag:s23], $0x1  }
0xa3: {  	[sflag:s23] =	ssyncset.done $0x0  }
0xa4: {  	s25 =	simm.s32 $0x1B8E;
	s24 =	sld [smem:$0x3FFE];
	[sflag:s23] =	ssyncadd.s32 $0xFFFFFFFF  }
0xa5: {  	s26 =	simm.s32 $execute0_lowered;
	[smem:$0x3FD2] =	sst s25  }
0xa6: {  	s5 =	sshll.u32 s26, $0x1;
	_ =	strace $0x80000046;
	[dreg:$0x1] =	wrdreg $0xFFFFFFFF  }
0xa7: {  	s28 =	simm.s32 $_size_execute0_lowered;
	s3 =	sadd.s32 s3, s5;
	[dreg:$0x0] =	wrdreg $0x0  }
0xa8: {  	s5 =	sshll.u32 s28, $0x1;
	[dreg:$0x2] =	wrdreg s3  }
0xa9: {  	[dreg:$0x3] =	wrdreg s5  }
0xaa: {  	[dreg:$0x4] =	wrdreg $0xC0  }
0xab: {  	_ =	task [dreg:s7], $0x5FFFF  }
0xac: {  	[dreg:$0x1] =	wrdreg $0xFFFFFFFF  }
0xad: {  	[dreg:$0x0] =	wrdreg $0x60  }
0xae: {  	[dreg:$0x2] =	wrdreg s24  }
0xaf: {  	[dreg:$0x3] =	wrdreg s2  }
0xb0: {  	[dreg:$0x4] =	wrdreg $0x7B200  }
0xb1: {  	[dreg:$0x5] =	wrdreg $0x9  }
0xb2: {  	_ =	task.clear_ibuf [dreg:s7], $0x6FFFF;
	_ =	strace $0x90000046  }
0xb3: {  	s29 =	simm.s32 $0x9;
	_ =	strace $0x80000048  }
0xb4: {  	_ =	swait.ge [sflag:s29], $0x1  }
0xb5: {  	[sflag:s29] =	ssyncadd.s32 $0xFFFFFFFF  }
0xb6: {  	_ =	strace $0x90000048  }
0xb7: {  	_ =	sfence  }
0xb8: {  	s30 =	sld [smem:$0x0];
	_ =	sdelay $0x2  }
0xb9: {  	s31 =	sshll.u32 s1, $0xD;
	s1 =	sshrl.u32 s1, $0x2  }
0xba: {  	s3 =	sand.u32 $0x4000, s31;
	s1 =	sadd.s32 s1, s30  }
0xbb: {  	s0 =	sor.u32 s3, s0;
	s1 =	sshll.u32 s1, $0x11  }
0xbc: {  	s0 =	sor.u32 s1, s0  }
0xbd: {  	s0 =	sadd.s32 $0x8F2B, s0  }
0xbe: {  	[sflag:s0] =	ssyncadd.remote.s32 $0x1  }
0xbf: {  	_ =	sfence.sel $0xFFFF  }
0xc0: {  	[dreg:$0x0] =	wrdreg $0xFFFFFFFF;
	(pc) =	sbr.abs _section_cstart, $3  }
0xc1: {  	[dreg:$0x1] =	wrdreg $0xFFFFFFFF  }
0xc2: {  	_ =	task.clear_ibuf [dreg:s7], $0x2FFFF;
	_ =	strace $0x9FFFFFFF  }
0xc3: {  	(tm) =	ssettm $0x7FFFFFFF  }
tec
execute0_lowered:
.L_overlay_start_1:
0x0: {  	(tag) =	ssettag $0x1  }
0x1: {  	s5 =	rddreg [dreg:$0x0]  }
0x2: {  	s7 =	rddreg [dreg:$0x1]  }
0x3: {  	s2 =	rddreg [dreg:$0x2];
	s0 =	stileid.u32  }
0x4: {  	s4 =	srdreg.scid;
	s1 =	rddreg [dreg:$0x3]  }
0x5: {  	s3 =	simm.s32 $0x0;
	s13 =	simm.s32 $0x28;
	s14 =	simm.s32 $0x2  }
0x6: {  	s15 =	simm.s32 $0x4DF8;
	s16 =	simm.s32 $0x64A0;
	s17 =	simm.s32 $0x0  }
0x7: {  	s6 =	smul.u32 $0x15F90, s0;
	s8 =	sand.u32 $0x1, s4;
	[smem:$0x7FF] =	sst s3  }
0x8: {  	s4 =	sadd.s32 $0x3000, s5;
	s31 =	sshll.u32 s0, $0x6;
	s10 =	smul.u32 $0x15F900, s8  }
0x9: {  	_ =	strace $0x80000047;
	s11 =	ssub.s32 $0x2, s8;
	s8 =	sshll.u32 s8, $0x4  }
0xa: {  	s9 =	sshrl.u32 s6, $0x3;
	s12 =	sshrl.u32 s11, $0x1;
	s8 =	sor.u32 s0, s8  }
0xb: {  	s30 =	sadd.s32 s6, s2;
	s9 =	sadd.s32 s9, s5;
	s10 =	sadd.s32 s6, s10  }
0xc: {  	s11 =	ssub.s32 s11, s12;
	s8 =	smul.u32 $0x9C4, s8;
	s10 =	sshrl.u32 s10, $0x3  }
0xd: {  	s6 =	sor.u32 $0x1C03, s31;
	s12 =	simm.s32 $0x4E20;
	s10 =	sadd.s32 s10, s5  }
0xe: {  	s5 =	sadd.s32 $0x2F000, s9;
	s7 =	sadd.s32 s7, s8;
	s9 =	smax.u32 s11, $0x1  }
0xf: {  	s11 =	simm.s32 $0x3;
	s8 =	sadd.s32 $0x5B000, s10;
	s10 =	sshrl.u32 s30, $0x3  }
.LBB2_1:
0x10: {  	[spmem:s10], [sflag:s6] =	dma.local [hbm:s5], $0x2BF2  }
0x11: {  	_ =	swait.ge [sflag:s11], $0x2BF2  }
0x12: {  	s18 =	sand.u32 $0x1, s3;
	s21 =	simm.s32 $0x50;
	[sflag:s11] =	ssyncset.done $0x0  }
0x13: {  	s29 =	simm.s32 $0x1;
	s19 =	sxor.u32 $0x1, s18;
	[sflag:s11] =	ssyncadd.s32 $0xFFFFD40E  }
0x14: {  	[tilespmem:s3], [sflag:$0x3] =	stream.linear.gather [hbm4b:s7+s3], $0x4E20, $0x38;
	[tilespmem:$0x1DAB0] =	vst v63  }
0x15: {  	s22 =	simm.s32 $0x2;
	s20 =	smul.u32 $0x5A00, s19;
	_ =	swait.ge [sflag:s11], $0x4E20  }
0x16: {  	s28 =	smul.u32 $0x5A00, s18;
	s18 =	sadd.s32 $0x1, s18;
	[sflag:s11] =	ssyncset.done $0x0  }
0x17: {  	s19 =	sadd.s32 $0x1, s19;
	s20 =	sshrl.u32 s20, $0x2;
	[sflag:s11] =	ssyncadd.s32 $0xFFFFB1E0  }
0x18: {  	[tilespmem:s12], [sflag:$0x1] =	stream.indirect.gather [hbm4b:s4+s13], $0x90, s3, s13, $0xb8;
	[tilespmem:$0x1DAB0] =	vst v63  }
0x19: {  	s30 =	sshrl.u32 s28, $0x2;
	s20 =	sadd.s32 $0x4E20, s20;
	[bflag:$0x0] =	sbarrier.arrive $0xFFFF  }
0x1a: {  	[tilespmem:s20], [sflag:s19] =	stream.indirect.gather [hbm4b:s4+s13], $0x90, s21, s13, $0xb8;
	[tilespmem:$0x1DAB0] =	vst v63  }
0x1b: {  	s31 =	sadd.s32 $0x4E20, s30;
	s19 =	sand.u32 $0x1, s29;
	_ =	swait.ge [sflag:s18], $0x1680  }
0x1c: {  	s20 =	sxor.u32 $0x1, s19;
	s21 =	smul.u32 $0x5A00, s19;
	[sflag:s18] =	ssyncset.done $0x0  }
0x1d: {  	s23 =	smul.u32 $0x5A00, s20;
	[sflag:s18] =	ssyncadd.s32 $0xFFFFE980;
	s18 =	simm.s32 $0x78  }
0x1e: {  	[spmem:s2] =	stream.indirect.scatter.add.f32 [tilespmem:s31], [sflag:$0x3], $0x90, s13, s13, $0xb8;
	[tilespmem:$0x1DAB0] =	vst v63  }
.LBB2_2:
0x1f: {  	s23 =	sshrl.u32 s23, $0x2;
	s21 =	sshrl.u32 s21, $0x2;
	_ =	swait.ge [sflag:s11], $0x1680  }
0x20: {  	s24 =	smov.u32 s22;
	s25 =	smov.u32 s18;
	s26 =	sadd.s32 $0x1, s22  }
0x21: {  	s28 =	sadd.s32 $0x28, s18;
	s23 =	sadd.s32 $0x4E20, s23;
	[sflag:s11] =	ssyncset.done $0x0  }
0x22: {  	s20 =	sadd.s32 $0x1, s20;
	p0 =	sne.s32 s22, $0xF8;
	[sflag:s11] =	ssyncadd.s32 $0xFFFFE980  }
0x23: {  	[tilespmem:s23], [sflag:s20] =	stream.indirect.gather [hbm4b:s4+s13], $0x90, s28, s13, $0xb8;
	[tilespmem:$0x1DAB0] =	vst v63  }
.Ltmp0:
0x24: {  	s22 =	sadd.s32 $0x1, s19;
	s18 =	sadd.s32 $0x50, s18;
	(pc) =	sbr.rel @p0 .LBB2_2-.Ltmp0, $4  }
0x25: {  	s19 =	sand.u32 $0x1, s24;
	s24 =	sadd.s32 $0x4E20, s21;
	_ =	swait.ge [sflag:s22], $0x1680  }
0x26: {  	s21 =	smul.u32 $0x5A00, s19;
	s20 =	sxor.u32 $0x1, s19;
	[sflag:s22] =	ssyncset.done $0x0  }
0x27: {  	s23 =	smul.u32 $0x5A00, s20;
	[sflag:s22] =	ssyncadd.s32 $0xFFFFE980;
	s22 =	smov.u32 s26  }
0x28: {  	[spmem:s2] =	stream.indirect.scatter.add.f32 [tilespmem:s24], [sflag:$0x3], $0x90, s25, s13, $0xb8;
	[tilespmem:$0x1DAB0] =	vst v63  }
0x29: {  	s22 =	sshrl.u32 s23, $0x2;
	_ =	swait.ge [sflag:s11], $0x1680  }
0x2a: {  	s30 =	sadd.s32 $0x28, s18;
	s20 =	sadd.s32 $0x1, s20;
	[sflag:s11] =	ssyncset.done $0x0  }
0x2b: {  	s19 =	sadd.s32 $0x1, s19;
	s22 =	sadd.s32 $0x4E20, s22;
	[sflag:s11] =	ssyncadd.s32 $0xFFFFE980  }
0x2c: {  	[tilespmem:s22], [sflag:s20] =	stream.indirect.gather [hbm4b:s4+s13], $0x90, s30, s13, $0xb8;
	[tilespmem:$0x1DAB0] =	vst v63  }
0x2d: {  	_ =	swait.ge [sflag:s19], $0x1680  }
0x2e: {  	s31 =	sshrl.u32 s21, $0x2;
	[sflag:s19] =	ssyncset.done $0x0  }
0x2f: {  	s20 =	sadd.s32 $0x4E20, s31;
	[sflag:s19] =	ssyncadd.s32 $0xFFFFE980  }
0x30: {  	[spmem:s2] =	stream.indirect.scatter.add.f32 [tilespmem:s20], [sflag:$0x3], $0x90, s18, s13, $0xb8;
	[tilespmem:$0x1DAB0] =	vst v63  }
0x31: {  	_ =	swait.ge [sflag:s11], $0x1680  }
0x32: {  	[sflag:s11] =	ssyncset.done $0x0  }
0x33: {  	[sflag:s11] =	ssyncadd.s32 $0xFFFFE980  }
0x34: {  	_ =	swait.ge [sflag:s14], $0x1680  }
0x35: {  	[sflag:s14] =	ssyncset.done $0x0  }
0x36: {  	[sflag:s14] =	ssyncadd.s32 $0xFFFFE980  }
0x37: {  	[spmem:s2] =	stream.indirect.scatter.add.f32 [tilespmem:s16], [sflag:$0x3], $0x90, s15, s13, $0xb8;
	[tilespmem:$0x1DAB0] =	vst v63  }
0x38: {  	_ =	swait.ge [sflag:s11], $0x1680  }
0x39: {  	s17 =	sadd.s32 $0x1, s17;
	[sflag:s11] =	ssyncset.done $0x0  }
0x3a: {  	p0 =	sne.s32 s17, s9;
	[sflag:s11] =	ssyncadd.s32 $0xFFFFE980  }
.Ltmp1:
0x3b: {  	[bflag:$0x0] =	sbarrier.arrive $0xFFFF;
	(pc) =	sbr.rel @p0 .LBB2_1-.Ltmp1, $4  }
0x3c: {  	[hbm:s8], [sflag:s6] =	dma.local [spmem:s10], $0x2BF2  }
0x3d: {  	_ =	swait.ge [sflag:s11], $0x2BF2  }
0x3e: {  	[sflag:s11] =	ssyncset.done $0x0  }
0x3f: {  	[sflag:s11] =	ssyncadd.s32 $0xFFFFD40E  }
0x40: {  	_ =	sfence.sel $0x180000  }
0x41: {  	[bflag:$0x0] =	sbarrier.arrive $0xFFFF  }
0x42: {  	p0 =	sne.s32 s0, $0x0;
	_ =	strace $0x90000047  }
0x43: {  	s0 =	sadd.s32 @!p0 $0x100000, s1;
	[bflag:$0x2] =	sbarrier.arrive $0xFFFF  }
0x44: {  	[sflag:s0] =	ssyncadd.tile.s32 @!p0 $0x1;
	_ =	shalt  }
.Lfunc_end2:
_tile_overlayer_lowered:
.L_overlay_start_2:
0x45: {  	(tag) =	ssettag $0x2  }
0x46: {  	s0 =	rddreg [dreg:$0x0];
	s2 =	stileid.u32  }
0x47: {  	s1 =	rddreg [dreg:$0x1];
	p0 =	sne.s32 s2, $0x0  }
0x48: {  	s3 =	rddreg [dreg:$0x2];
	[bflag:$0x3] =	sbarrier.arrive $0xFFFF;
	s2 =	simm.s32 @!p0 $0x1C03  }
0x49: {  	[timem:s3], [sflag:s2] =	dma.local @!p0 [hbm:s0], s1  }
0x4a: {  	s0 =	simm.s32 @!p0 $0x3  }
0x4b: {  	_ =	swait.ge @!p0 [sflag:s0], s1  }
0x4c: {  	s1 =	ssub.s32 @!p0 $0x0, s1;
	[sflag:s0] =	ssyncset.done @!p0 $0x0  }
0x4d: {  	[sflag:s0] =	ssyncadd.s32 @!p0 s1  }
0x4e: {  	[bflag:$0x3] =	sbarrier.arrive $0xFFFF  }
0x4f: {  	_ =	shalt  }

// kernel: kernel.9.cloned.1.call-start
scs
__scs_entry_jumppad:
0x0: {  	(pc) =	sbr.rel $0x88, $3  }
0x1: {  	(tag) =	ssettag $0x0;
	lr =	simm.s32 $0x1  }
0x2: {  	[smem:$0x3F9D] =	sst lr;
	_ =	strace $0xD0000000  }
0x3: {  	_ = 	snop  }
0x4: {  	_ = 	snop  }
0x5: {  	_ = 	snop  }
0x6: {  	_ = 	snop  }
0x7: {  	_ = 	snop  }
__scs_overlays_trampoline_lowered:
0x8: {  	[smem:$0x3FAC] =	sst s0  }
0x9: {  	[smem:$0x3FAD] =	sst s1  }
0xa: {  	[smem:$0x3FAE] =	sst s2  }
0xb: {  	[smem:$0x3FAF] =	sst s3  }
0xc: {  	[smem:$0x3FB0] =	sst s4  }
0xd: {  	[smem:$0x3FB1] =	sst s5  }
0xe: {  	[smem:$0x3FB2] =	sst s6  }
0xf: {  	[smem:$0x3FB3] =	sst s7  }
0x10: {  	[smem:$0x3FB4] =	sst s8  }
0x11: {  	[smem:$0x3FB5] =	sst s9;
	s0 =	simm.s32 @!p0 $0x0  }
0x12: {  	s1 =	sld [smem:$0x3F9B];
	s0 =	simm.s32 @p0 $0x1  }
0x13: {  	[smem:$0x3FB6] =	sst s0;
	s0 =	simm.s32 @!p1 $0x0  }
0x14: {  	s2 =	sld [smem:$0x3F9A];
	s0 =	simm.s32 @p1 $0x1  }
0x15: {  	[smem:$0x3FB7] =	sst s0;
	s0 =	simm.s32 @!p2 $0x0  }
0x16: {  	s3 =	sld [smem:$0x3FDB];
	s0 =	simm.s32 @p2 $0x1  }
0x17: {  	s4 =	simm.s32 $0x1BF5;
	[smem:$0x3FB9] =	sst s0  }
0x18: {  	s0 =	sld [smem:$0x3F9C];
	_ =	swait.ge [sflag:s4], $0x0  }
0x19: {  	s7 =	sld [smem:$0x3F9D]  }
0x1a: {  	s8 =	sadd.s32 $0xFFFFE003, lr  }
0x1b: {  	s9 =	sadd.s32 $0xFFFFFEF7, lr;
	s5 =	simm.s32 $0xFFFFFFFF;
	p2 =	slt.u32 s8, $0xFFFFF086  }
0x1c: {  	p1 =	slt.u32 s9, $0xF7A;
	s5 =	simm.s32 @!p2 $0x0  }
0x1d: {  	s5 =	simm.s32 @p1 $0x1;
	p0 =	seq.s32 s7, s2  }
0x1e: {  	s7 =	smul.u32 @!p0 $0xF7A, s2;
	p2 =	seq.s32 @!p0 s5, $0x0  }
0x1f: {  	s9 =	smul.u32 $0xF7A, s1;
	s8 =	simm.s32 @!p0 $0x1BF5;
	p2 =	por !p2, p0  }
0x20: {  	[sflag:s8] =	ssyncset.s32 @!p0 $0xFFFFF086;
	s6 =	sadd.s32 @!p0 s3, s7;
	s7 =	simm.s32 @!p0 $0x108  }
0x21: {  	s3 =	sadd.s32 s3, s9;
	s6 =	sadd.s32 @!p0 $0x88, s6;
	s7 =	simm.s32 @p2 $0x1082  }
0x22: {  	[simem:s7], [sflag:s8] =	dma.local @!p0 [hbm:s6], $0xF7A  }
0x23: {  	s9 =	sor.u32 $0xD0000000, s2;
	s6 =	simm.s32 $0x108;
	_ =	swait.ge @!p0 [sflag:s8], $0x0  }
0x24: {  	s3 =	sadd.s32 $0x88, s3;
	s6 =	simm.s32 @!p1 $0x1082;
	[sflag:s4] =	ssyncset.s32 $0xFFFFF086  }
0x25: {  	[simem:s6], [sflag:s4] =	dma.local [hbm:s3], $0xF7A  }
0x26: {  	[smem:$0x3F9D] =	sst s1;
	(tag) =	ssettag s2;
	_ =	strace s9  }
0x27: {  	s1 =	sld [smem:$0x3FAD]  }
0x28: {  	s2 =	sld [smem:$0x3FAE]  }
0x29: {  	s4 =	sld [smem:$0x3FB0]  }
0x2a: {  	p0 =	seq.s32 s5, $0x0;
	s5 =	sld [smem:$0x3FB1]  }
0x2b: {  	s6 =	sld [smem:$0x3FB2]  }
0x2c: {  	s7 =	sld [smem:$0x3FB3]  }
0x2d: {  	s3 =	simm.s32 $0x108;
	s8 =	sld [smem:$0x3FB4]  }
0x2e: {  	s3 =	simm.s32 @!p0 $0x1082;
	s9 =	sld [smem:$0x3FB5]  }
0x2f: {  	lr =	sadd.s32 s0, s3;
	s0 =	sld [smem:$0x3FAC]  }
0x30: {  	s3 =	sld [smem:$0x3FAF]  }
0x31: {  	[smem:$0x3FB8] =	sst s10  }
0x32: {  	s10 =	sld [smem:$0x3FB6];
	_ =	sdelay $0x3  }
0x33: {  	p0 =	seq.s32 s10, $0x1;
	s10 =	sld [smem:$0x3FB8];
	_ =	sdelay $0x3  }
0x34: {  	[smem:$0x3FB8] =	sst s10  }
0x35: {  	s10 =	sld [smem:$0x3FB7];
	_ =	sdelay $0x3  }
0x36: {  	p1 =	seq.s32 s10, $0x1;
	s10 =	sld [smem:$0x3FB8];
	_ =	sdelay $0x3  }
0x37: {  	[smem:$0x3FB8] =	sst s10  }
0x38: {  	s10 =	sld [smem:$0x3FB9]  }
0x39: {  	_ = 	snop;
	(pc) =	sbr.ind lr, $3  }
0x3a: {  	_ = 	snop  }
0x3b: {  	_ = 	snop  }
0x3c: {  	p2 =	seq.s32 s10, $0x1;
	s10 =	sld [smem:$0x3FB8]  }
0x3d: {  	_ =	shalt  }
0x3e: {  	_ =	shalt  }
0x3f: {  	_ =	shalt  }
0x40: {  	_ =	shalt  }
0x41: {  	_ =	shalt  }
0x42: {  	_ =	shalt  }
0x43: {  	_ =	shalt  }
0x44: {  	_ =	shalt  }
0x45: {  	_ =	shalt  }
0x46: {  	_ =	shalt  }
0x47: {  	_ =	shalt  }
0x48: {  	_ =	shalt  }
0x49: {  	_ =	shalt  }
0x4a: {  	_ =	shalt  }
0x4b: {  	_ =	shalt  }
0x4c: {  	_ =	shalt  }
0x4d: {  	_ =	shalt  }
0x4e: {  	_ =	shalt  }
0x4f: {  	_ =	shalt  }
0x50: {  	_ =	shalt  }
0x51: {  	_ =	shalt  }
0x52: {  	_ =	shalt  }
0x53: {  	_ =	shalt  }
0x54: {  	_ =	shalt  }
0x55: {  	_ =	shalt  }
0x56: {  	_ =	shalt  }
0x57: {  	_ =	shalt  }
0x58: {  	_ =	shalt  }
0x59: {  	_ =	shalt  }
0x5a: {  	_ =	shalt  }
0x5b: {  	_ =	shalt  }
0x5c: {  	_ =	shalt  }
0x5d: {  	_ =	shalt  }
0x5e: {  	_ =	shalt  }
0x5f: {  	_ =	shalt  }
0x60: {  	_ =	shalt  }
0x61: {  	_ =	shalt  }
0x62: {  	_ =	shalt  }
0x63: {  	_ =	shalt  }
0x64: {  	_ =	shalt  }
0x65: {  	_ =	shalt  }
0x66: {  	_ =	shalt  }
0x67: {  	_ =	shalt  }
0x68: {  	_ =	shalt  }
0x69: {  	_ =	shalt  }
0x6a: {  	_ =	shalt  }
0x6b: {  	_ =	shalt  }
0x6c: {  	_ =	shalt  }
0x6d: {  	_ =	shalt  }
0x6e: {  	_ =	shalt  }
0x6f: {  	_ =	shalt  }
0x70: {  	_ =	shalt  }
0x71: {  	_ =	shalt  }
0x72: {  	_ =	shalt  }
0x73: {  	_ =	shalt  }
0x74: {  	_ =	shalt  }
0x75: {  	_ =	shalt  }
0x76: {  	_ =	shalt  }
0x77: {  	_ =	shalt  }
0x78: {  	_ =	shalt  }
0x79: {  	_ =	shalt  }
0x7a: {  	_ =	shalt  }
0x7b: {  	_ =	shalt  }
0x7c: {  	_ =	shalt  }
0x7d: {  	_ =	shalt  }
0x7e: {  	_ =	shalt  }
0x7f: {  	_ =	shalt  }
0x80: {  	_ =	shalt  }
0x81: {  	_ =	shalt  }
0x82: {  	_ =	shalt  }
0x83: {  	_ =	shalt  }
0x84: {  	_ =	shalt  }
0x85: {  	_ =	shalt  }
0x86: {  	_ =	shalt  }
0x87: {  	_ =	shalt  }
.Lfunc_end0:
.L_simem_size_0:
called_computation.1_lowered:
.L_overlay_start_0:
0x88: {  	s2 =	sld [smem:$0x3FD9]  }
0x89: {  	s3 =	sld [smem:$0x3FFE];
	_ =	sdelay $0x1  }
0x8a: {  	s1 =	srdreg.scid  }
0x8b: {  	s0 =	sand.u32 $0x1, s1  }
0x8c: {  	s17 =	sshll.u32 s0, $0xA;
	s2 =	sadd.s32 s3, s2  }
0x8d: {  	s2 =	sadd.s32 s2, s17  }
0x8e: {  	[smem:$0x3FC4] =	sst s2  }
0x8f: {  	_ = 	snop  }
0x90: {  	s2 =	sld [smem:$0x3FD0];
	(tm) =	ssettm $0x1  }
0x91: {  	s18 =	sld [smem:$0x3FFB];
	_ =	sdelay $0x3  }
0x92: {  	_ =	strace s18  }
0x93: {  	s3 =	sld [smem:$0x3FFC];
	_ =	sdelay $0x3  }
0x94: {  	_ =	strace s3  }
0x95: {  	s3 =	sld [smem:$0x3FFD];
	_ =	sdelay $0x3  }
0x96: {  	_ =	strace s3  }
0x97: {  	_ =	strace $0x8FFFFFFF  }
0x98: {  	s19 =	sld [smem:$0x3FDB];
	_ =	sdelay $0x1  }
0x99: {  	s4 =	simm.s32 $_scs_section_size  }
0x9a: {  	s5 =	simm.s32 $_size__tile_overlayer_lowered;
	s6 =	simm.s32 $_tile_overlayer_lowered  }
0x9b: {  	s22 =	simm.s32 $0x1BFF;
	s21 =	sshll.u32 s6, $0x1;
	s3 =	sadd.s32 s4, s19  }
0x9c: {  	s7 =	simm.s32 $0x0;
	s20 =	sshll.u32 s5, $0x1;
	s5 =	sadd.s32 s21, s3  }
0x9d: {  	[timem:s7], [sflag:s22] =	dma.local [hbm:s5], s20  }
0x9e: {  	_ =	swait.ge [sflag:s22], s20  }
0x9f: {  	s4 =	ssub.s32 $0x0, s20;
	[sflag:s22] =	ssyncset.done $0x0  }
0xa0: {  	[sflag:s22] =	ssyncadd.s32 s4;
	_ =	sdelay $0x1  }
0xa1: {  	s23 =	simm.s32 $0x1B8B  }
0xa2: {  	_ =	swait.ge [sflag:s23], $0x1  }
0xa3: {  	[sflag:s23] =	ssyncset.done $0x0  }
0xa4: {  	s25 =	simm.s32 $0x1B8E;
	s24 =	sld [smem:$0x3FFE];
	[sflag:s23] =	ssyncadd.s32 $0xFFFFFFFF  }
0xa5: {  	s26 =	simm.s32 $execute0_lowered;
	[smem:$0x3FD2] =	sst s25  }
0xa6: {  	s5 =	sshll.u32 s26, $0x1;
	_ =	strace $0x80000049;
	[dreg:$0x1] =	wrdreg $0xFFFFFFFF  }
0xa7: {  	s28 =	simm.s32 $_size_execute0_lowered;
	s3 =	sadd.s32 s3, s5;
	[dreg:$0x0] =	wrdreg $0x0  }
0xa8: {  	s5 =	sshll.u32 s28, $0x1;
	[dreg:$0x2] =	wrdreg s3  }
0xa9: {  	[dreg:$0x3] =	wrdreg s5  }
0xaa: {  	[dreg:$0x4] =	wrdreg $0xC0  }
0xab: {  	_ =	task [dreg:s7], $0x5FFFF  }
0xac: {  	[dreg:$0x1] =	wrdreg $0xFFFFFFFF  }
0xad: {  	[dreg:$0x0] =	wrdreg $0x60  }
0xae: {  	[dreg:$0x2] =	wrdreg s2  }
0xaf: {  	[dreg:$0x3] =	wrdreg s24  }
0xb0: {  	[dreg:$0x4] =	wrdreg $0x9E200  }
0xb1: {  	[dreg:$0x5] =	wrdreg $0x9  }
0xb2: {  	_ =	task.clear_ibuf [dreg:s7], $0x6FFFF;
	_ =	strace $0x90000049  }
0xb3: {  	s29 =	simm.s32 $0x9;
	_ =	strace $0x8000004B  }
0xb4: {  	_ =	swait.ge [sflag:s29], $0x1  }
0xb5: {  	[sflag:s29] =	ssyncadd.s32 $0xFFFFFFFF  }
0xb6: {  	_ =	strace $0x9000004B  }
0xb7: {  	_ =	sfence  }
0xb8: {  	s30 =	sld [smem:$0x0];
	_ =	sdelay $0x2  }
0xb9: {  	s31 =	sshll.u32 s1, $0xD;
	s1 =	sshrl.u32 s1, $0x2  }
0xba: {  	s3 =	sand.u32 $0x4000, s31;
	s1 =	sadd.s32 s1, s30  }
0xbb: {  	s0 =	sor.u32 s3, s0;
	s1 =	sshll.u32 s1, $0x11  }
0xbc: {  	s0 =	sor.u32 s1, s0  }
0xbd: {  	s0 =	sadd.s32 $0x8F2B, s0  }
0xbe: {  	[sflag:s0] =	ssyncadd.remote.s32 $0x1  }
0xbf: {  	_ =	sfence.sel $0xFFFF  }
0xc0: {  	[dreg:$0x0] =	wrdreg $0xFFFFFFFF;
	(pc) =	sbr.abs _section_cstart, $3  }
0xc1: {  	[dreg:$0x1] =	wrdreg $0xFFFFFFFF  }
0xc2: {  	_ =	task.clear_ibuf [dreg:s7], $0x2FFFF;
	_ =	strace $0x9FFFFFFF  }
0xc3: {  	(tm) =	ssettm $0x7FFFFFFF  }
tec
execute0_lowered:
.L_overlay_start_1:
0x0: {  	(tag) =	ssettag $0x1  }
0x1: {  	s2 =	rddreg [dreg:$0x0]  }
0x2: {  	s6 =	rddreg [dreg:$0x1]  }
0x3: {  	s0 =	srdreg.scid;
	s3 =	rddreg [dreg:$0x2];
	s4 =	simm.s32 $0x0  }
0x4: {  	s13 =	simm.s32 $0x50;
	s14 =	simm.s32 $0x1;
	s15 =	simm.s32 $0x4DD0  }
0x5: {  	s16 =	simm.s32 $0x0;
	s5 =	sand.u32 $0x1, s0;
	s0 =	stileid.u32  }
0x6: {  	[smem:$0x7FF] =	sst s4;
	s1 =	sshll.u32 s5, $0x4;
	s8 =	smul.u32 $0x13880, s0  }
0x7: {  	s9 =	smul.u32 $0x138800, s5;
	s5 =	ssub.s32 $0x2, s5;
	s1 =	sor.u32 s0, s1  }
0x8: {  	s31 =	sshll.u32 s0, $0x6;
	s30 =	sshrl.u32 s5, $0x1;
	s7 =	smul.u32 $0x9C4, s1  }
0x9: {  	s1 =	rddreg [dreg:$0x3];
	_ =	strace $0x8000004A;
	s9 =	sadd.s32 s8, s9  }
0xa: {  	s10 =	sshrl.u32 s8, $0x3;
	s11 =	ssub.s32 s5, s30;
	s12 =	sadd.s32 s8, s3  }
0xb: {  	s9 =	sshrl.u32 s9, $0x3;
	s10 =	sadd.s32 s10, s6;
	s7 =	sadd.s32 s7, s6  }
0xc: {  	s9 =	sadd.s32 s9, s6;
	s5 =	sadd.s32 $0x3000, s10;
	s6 =	sor.u32 $0x1C03, s31  }
0xd: {  	s10 =	sshrl.u32 s12, $0x3;
	s12 =	simm.s32 $0x4E20;
	s7 =	sadd.s32 $0xB3000, s7  }
0xe: {  	s8 =	sadd.s32 $0x2A200, s9;
	s9 =	smax.u32 s11, $0x1;
	s11 =	simm.s32 $0x3  }
.LBB2_1:
0xf: {  	[spmem:s10], [sflag:s6] =	dma.local [hbm:s5], $0x2710  }
0x10: {  	_ =	swait.ge [sflag:s11], $0x2710  }
0x11: {  	s17 =	sand.u32 $0x1, s4;
	s20 =	simm.s32 $0xA0;
	[sflag:s11] =	ssyncset.done $0x0  }
0x12: {  	s29 =	simm.s32 $0x1;
	s18 =	sxor.u32 $0x1, s17;
	[sflag:s11] =	ssyncadd.s32 $0xFFFFD8F0  }
0x13: {  	[tilespmem:s4], [sflag:$0x3] =	stream.linear.gather [hbm4b:s7+s4], $0x4E20, $0x38;
	[tilespmem:$0x1D6A0] =	vst v63  }
0x14: {  	s21 =	simm.s32 $0x2;
	s19 =	smul.u32 $0xA000, s18;
	_ =	swait.ge [sflag:s11], $0x4E20  }
0x15: {  	s28 =	smul.u32 $0xA000, s17;
	s17 =	sadd.s32 $0x1, s17;
	[sflag:s11] =	ssyncset.done $0x0  }
0x16: {  	s18 =	sadd.s32 $0x1, s18;
	s19 =	sshrl.u32 s19, $0x2;
	[sflag:s11] =	ssyncadd.s32 $0xFFFFB1E0  }
0x17: {  	[tilespmem:s12], [sflag:$0x1] =	stream.indirect.gather [hbm4b:s2+s13], $0x80, s4, s13, $0xb8;
	[tilespmem:$0x1D6A0] =	vst v63  }
0x18: {  	s30 =	sshrl.u32 s28, $0x2;
	s19 =	sadd.s32 $0x4E20, s19;
	[bflag:$0x0] =	sbarrier.arrive $0xFFFF  }
0x19: {  	[tilespmem:s19], [sflag:s18] =	stream.indirect.gather [hbm4b:s2+s13], $0x80, s20, s13, $0xb8;
	[tilespmem:$0x1D6A0] =	vst v63  }
0x1a: {  	s31 =	sadd.s32 $0x4E20, s30;
	s18 =	sand.u32 $0x1, s29;
	_ =	swait.ge [sflag:s17], $0x2800  }
0x1b: {  	s19 =	sxor.u32 $0x1, s18;
	s20 =	smul.u32 $0xA000, s18;
	[sflag:s17] =	ssyncset.done $0x0  }
0x1c: {  	s22 =	smul.u32 $0xA000, s19;
	[sflag:s17] =	ssyncadd.s32 $0xFFFFD800;
	s17 =	simm.s32 $0xF0  }
0x1d: {  	[spmem:s3] =	stream.indirect.scatter.add.f32 [tilespmem:s31], [sflag:$0x3], $0x80, s13, s13, $0xb8;
	[tilespmem:$0x1D6A0] =	vst v63  }
.LBB2_2:
0x1e: {  	s22 =	sshrl.u32 s22, $0x2;
	s20 =	sshrl.u32 s20, $0x2;
	_ =	swait.ge [sflag:s11], $0x2800  }
0x1f: {  	s23 =	smov.u32 s21;
	s24 =	smov.u32 s17;
	s25 =	sadd.s32 $0x1, s21  }
0x20: {  	s26 =	sadd.s32 $0x50, s17;
	s22 =	sadd.s32 $0x4E20, s22;
	[sflag:s11] =	ssyncset.done $0x0  }
0x21: {  	s19 =	sadd.s32 $0x1, s19;
	p0 =	sne.s32 s21, $0x7B;
	[sflag:s11] =	ssyncadd.s32 $0xFFFFD800  }
0x22: {  	[tilespmem:s22], [sflag:s19] =	stream.indirect.gather [hbm4b:s2+s13], $0x80, s26, s13, $0xb8;
	[tilespmem:$0x1D6A0] =	vst v63  }
.Ltmp0:
0x23: {  	s21 =	sadd.s32 $0x1, s18;
	s17 =	sadd.s32 $0xA0, s17;
	(pc) =	sbr.rel @p0 .LBB2_2-.Ltmp0, $4  }
0x24: {  	s18 =	sand.u32 $0x1, s23;
	s23 =	sadd.s32 $0x4E20, s20;
	_ =	swait.ge [sflag:s21], $0x2800  }
0x25: {  	s20 =	smul.u32 $0xA000, s18;
	s19 =	sxor.u32 $0x1, s18;
	[sflag:s21] =	ssyncset.done $0x0  }
0x26: {  	s22 =	smul.u32 $0xA000, s19;
	[sflag:s21] =	ssyncadd.s32 $0xFFFFD800;
	s21 =	smov.u32 s25  }
0x27: {  	[spmem:s3] =	stream.indirect.scatter.add.f32 [tilespmem:s23], [sflag:$0x3], $0x80, s24, s13, $0xb8;
	[tilespmem:$0x1D6A0] =	vst v63  }
0x28: {  	s21 =	sshrl.u32 s22, $0x2;
	_ =	swait.ge [sflag:s11], $0x2800  }
0x29: {  	s30 =	sadd.s32 $0x50, s17;
	s19 =	sadd.s32 $0x1, s19;
	[sflag:s11] =	ssyncset.done $0x0  }
0x2a: {  	s18 =	sadd.s32 $0x1, s18;
	s21 =	sadd.s32 $0x4E20, s21;
	[sflag:s11] =	ssyncadd.s32 $0xFFFFD800  }
0x2b: {  	[tilespmem:s21], [sflag:s19] =	stream.indirect.gather [hbm4b:s2+s13], $0x80, s30, s13, $0xb8;
	[tilespmem:$0x1D6A0] =	vst v63  }
0x2c: {  	_ =	swait.ge [sflag:s18], $0x2800  }
0x2d: {  	s31 =	sshrl.u32 s20, $0x2;
	[sflag:s18] =	ssyncset.done $0x0  }
0x2e: {  	s19 =	sadd.s32 $0x4E20, s31;
	[sflag:s18] =	ssyncadd.s32 $0xFFFFD800  }
0x2f: {  	[spmem:s3] =	stream.indirect.scatter.add.f32 [tilespmem:s19], [sflag:$0x3], $0x80, s17, s13, $0xb8;
	[tilespmem:$0x1D6A0] =	vst v63  }
0x30: {  	_ =	swait.ge [sflag:s11], $0x2800  }
0x31: {  	[sflag:s11] =	ssyncset.done $0x0  }
0x32: {  	[sflag:s11] =	ssyncadd.s32 $0xFFFFD800  }
0x33: {  	_ =	swait.ge [sflag:s14], $0x2800  }
0x34: {  	[sflag:s14] =	ssyncset.done $0x0  }
0x35: {  	[sflag:s14] =	ssyncadd.s32 $0xFFFFD800  }
0x36: {  	[spmem:s3] =	stream.indirect.scatter.add.f32 [tilespmem:s12], [sflag:$0x3], $0x80, s15, s13, $0xb8;
	[tilespmem:$0x1D6A0] =	vst v63  }
0x37: {  	_ =	swait.ge [sflag:s11], $0x2800  }
0x38: {  	s16 =	sadd.s32 $0x1, s16;
	[sflag:s11] =	ssyncset.done $0x0  }
0x39: {  	p0 =	sne.s32 s16, s9;
	[sflag:s11] =	ssyncadd.s32 $0xFFFFD800  }
.Ltmp1:
0x3a: {  	[bflag:$0x0] =	sbarrier.arrive $0xFFFF;
	(pc) =	sbr.rel @p0 .LBB2_1-.Ltmp1, $4  }
0x3b: {  	[hbm:s8], [sflag:s6] =	dma.local [spmem:s10], $0x2710  }
0x3c: {  	_ =	swait.ge [sflag:s11], $0x2710  }
0x3d: {  	[sflag:s11] =	ssyncset.done $0x0  }
0x3e: {  	[sflag:s11] =	ssyncadd.s32 $0xFFFFD8F0  }
0x3f: {  	_ =	sfence.sel $0x180000  }
0x40: {  	[bflag:$0x0] =	sbarrier.arrive $0xFFFF  }
0x41: {  	p0 =	sne.s32 s0, $0x0;
	_ =	strace $0x9000004A  }
0x42: {  	s0 =	sadd.s32 @!p0 $0x100000, s1;
	[bflag:$0x2] =	sbarrier.arrive $0xFFFF  }
0x43: {  	[sflag:s0] =	ssyncadd.tile.s32 @!p0 $0x1;
	_ =	shalt  }
.Lfunc_end2:
_tile_overlayer_lowered:
.L_overlay_start_2:
0x44: {  	(tag) =	ssettag $0x2  }
0x45: {  	s0 =	rddreg [dreg:$0x0];
	s2 =	stileid.u32  }
0x46: {  	s1 =	rddreg [dreg:$0x1];
	p0 =	sne.s32 s2, $0x0  }
0x47: {  	s3 =	rddreg [dreg:$0x2];
	[bflag:$0x3] =	sbarrier.arrive $0xFFFF;
	s2 =	simm.s32 @!p0 $0x1C03  }
0x48: {  	[timem:s3], [sflag:s2] =	dma.local @!p0 [hbm:s0], s1  }
0x49: {  	s0 =	simm.s32 @!p0 $0x3  }
0x4a: {  	_ =	swait.ge @!p0 [sflag:s0], s1  }
0x4b: {  	s1 =	ssub.s32 @!p0 $0x0, s1;
	[sflag:s0] =	ssyncset.done @!p0 $0x0  }
0x4c: {  	[sflag:s0] =	ssyncadd.s32 @!p0 s1  }
0x4d: {  	[bflag:$0x3] =	sbarrier.arrive $0xFFFF  }
0x4e: {  	_ =	shalt  }

</sc_bundles>
